<compile_context>
chip_gen: v7x
topology: tpu7x:2x2x1
jax: 0.10.2.dev20260603
libtpu: 0.0.44.dev20260713+nightly
codegen_flags: <defaults>
</compile_context>

<pallas_src>
import functools

import jax
import jax.numpy as jnp
from jax import lax
from jax.experimental import pallas as pl
from jax.experimental.pallas import tpu as pltpu
from jax.experimental.pallas import tpu_sc as plsc

_G = 64
_D = 128
_R = 256
_SUB = _R // 128
_NE = 320000
_NP = 10240
_ECHUNKS = _NE // _R
_NCHUNKS = _NP // _R
_NW = 32
_NB = 3
_EFULL = (_ECHUNKS // _NW) // _NB * _NB


def _sc_body(ea_hbm, eb_hbm, x_hbm, b_hbm, m_hbm, z65_hbm,
             es_out, ns_out,
             d0, d1, d2, i0, i1, i2, bbuf, mbuf,
             sh_es, sh_ns,
             ld0, ld1, ld2, li0, li1, li2, sd0, sd1, sd2):
    c = lax.axis_index("c")
    s = lax.axis_index("s")
    wid = s * 2 + c

    @pl.when(s == 0)
    def _init():
        pltpu.sync_copy(z65_hbm, sh_es)
        pltpu.sync_copy(z65_hbm, sh_ns)

    plsc.subcore_barrier()

    bufs = ((d0, i0, ld0, li0, sd0),
            (d1, i1, ld1, li1, sd1),
            (d2, i2, ld2, li2, sd2))

    def _issue_load(t, d, i, ld, li):
        ci = wid * _EFULL + t
        pltpu.async_copy(ea_hbm.at[pl.ds(ci * _R, _R)], d, ld)
        pltpu.async_copy(eb_hbm.at[ci], i, li)

    def _wait_load(t, d, i, ld, li):
        ci = wid * _EFULL + t
        pltpu.make_async_copy(ea_hbm.at[pl.ds(ci * _R, _R)], d, ld).wait()
        pltpu.make_async_copy(eb_hbm.at[ci], i, li).wait()

    def _issue_scat(d, i, sdm):
        for j in range(_SUB):
            pltpu.async_copy(d.at[pl.ds(j * 128, 128)], sh_es.at[i.at[j]],
                             sdm, add=True)

    def _wait_scat(d, i, sdm):
        for j in range(_SUB):
            pltpu.make_async_copy(d.at[pl.ds(j * 128, 128)],
                                  sh_es.at[i.at[j]], sdm).wait()

    _issue_load(0, d0, i0, ld0, li0)
    _issue_load(1, d1, i1, ld1, li1)

    def edge_body(jj, carry):
        for b in range(_NB):
            t = jj * _NB + b
            d, i, ld, li, sdm = bufs[b]
            d2_, i2_, ld2_, li2_, sd2_ = bufs[(b + 2) % _NB]
            _wait_load(t, d, i, ld, li)

            @pl.when(t >= 1)
            def _():
                _wait_scat(d2_, i2_, sd2_)

            @pl.when(t + 2 < _EFULL)
            def _():
                _issue_load(t + 2, d2_, i2_, ld2_, li2_)

            _issue_scat(d, i, sdm)
        return carry

    lax.fori_loop(0, _EFULL // _NB, edge_body, 0)
    _wait_scat(*bufs[(_EFULL - 1) % _NB][0:2], bufs[(_EFULL - 1) % _NB][4])

    @pl.when(wid < _ECHUNKS - _EFULL * _NW)
    def _edge_tail():
        ci = _EFULL * _NW + wid
        pltpu.sync_copy(ea_hbm.at[pl.ds(ci * _R, _R)], d0)
        pltpu.sync_copy(eb_hbm.at[ci], i0)
        for j in range(_SUB):
            pltpu.sync_copy(d0.at[pl.ds(j * 128, 128)], sh_es.at[i0.at[j]],
                            add=True)

    n_n = (_NCHUNKS - wid + (_NW - 1)) // _NW

    def node_body(j, carry):
        ci = wid + j * _NW
        pltpu.sync_copy(x_hbm.at[pl.ds(ci * _R, _R)], d0)
        pltpu.sync_copy(b_hbm.at[ci], bbuf)
        pltpu.sync_copy(m_hbm.at[ci], mbuf)
        for r in range(_SUB):
            for k in range(8):
                b16 = bbuf[r, pl.ds(k * 16, 16)]
                m16 = mbuf[r, pl.ds(k * 16, 16)]
                i0[r, pl.ds(k * 16, 16)] = jnp.where(m16 != 0, b16, _G)
        for r in range(_SUB):
            pltpu.sync_copy(d0.at[pl.ds(r * 128, 128)], sh_ns.at[i0.at[r]],
                            add=True)
        return carry

    lax.fori_loop(0, n_n, node_body, 0)

    plsc.subcore_barrier()

    @pl.when(s == 0)
    def _writeback():
        pltpu.sync_copy(sh_es, es_out.at[c])
        pltpu.sync_copy(sh_ns, ns_out.at[c])


_sc_aggregate = functools.partial(
    pl.kernel,
    out_type=(
        jax.ShapeDtypeStruct((2, _G + 1, _D), jnp.float32),
        jax.ShapeDtypeStruct((2, _G + 1, _D), jnp.float32),
    ),
    mesh=plsc.VectorSubcoreMesh(core_axis_name="c", subcore_axis_name="s"),
    scratch_types=[
        pltpu.VMEM((_R, _D), jnp.float32),
        pltpu.VMEM((_R, _D), jnp.float32),
        pltpu.VMEM((_R, _D), jnp.float32),
        pltpu.VMEM((_SUB, 128), jnp.int32),
        pltpu.VMEM((_SUB, 128), jnp.int32),
        pltpu.VMEM((_SUB, 128), jnp.int32),
        pltpu.VMEM((_SUB, 128), jnp.int32),
        pltpu.VMEM((_SUB, 128), jnp.int32),
        pltpu.VMEM_SHARED((_G + 1, _D), jnp.float32),
        pltpu.VMEM_SHARED((_G + 1, _D), jnp.float32),
        pltpu.SemaphoreType.DMA,
        pltpu.SemaphoreType.DMA,
        pltpu.SemaphoreType.DMA,
        pltpu.SemaphoreType.DMA,
        pltpu.SemaphoreType.DMA,
        pltpu.SemaphoreType.DMA,
        pltpu.SemaphoreType.DMA,
        pltpu.SemaphoreType.DMA,
        pltpu.SemaphoreType.DMA,
    ],
)(_sc_body)


def _tc_counts_body(eb_ref, b_ref, m_ref, ec_ref, nc_ref):
    def body(g, carry):
        ebv = eb_ref[...].reshape(_NE // 128, 128)
        bm = jnp.where(m_ref[...] != 0, b_ref[...], -1).reshape(_NP // 128, 128)
        ec_ref[pl.ds(g, 1), :] = jnp.full(
            (1, 128), jnp.sum((ebv == g).astype(jnp.float32)))
        nc_ref[pl.ds(g, 1), :] = jnp.full(
            (1, 128), jnp.sum((bm == g).astype(jnp.float32)))
        return carry

    lax.fori_loop(0, _G, body, 0)


_tc_counts = pl.pallas_call(
    _tc_counts_body,
    out_shape=(jax.ShapeDtypeStruct((_G, 128), jnp.float32),
               jax.ShapeDtypeStruct((_G, 128), jnp.float32)),
)


def _tc_body(u_ref, es_ref, ns_ref, ec_ref, nc_ref,
             w1_ref, b1_ref, w2_ref, b2_ref, g_ref, be_ref, o_ref):
    es = (es_ref[0] + es_ref[1])[0:_G, :]
    ns = (ns_ref[0] + ns_ref[1])[0:_G, :]
    ecv = jnp.max(ec_ref[...], axis=1, keepdims=True)
    ncv = jnp.max(nc_ref[...], axis=1, keepdims=True)
    ea = es / jnp.maximum(ecv, 1.0)
    na = ns / jnp.maximum(ncv, 1.0)
    u = u_ref[...]
    hi = lax.Precision.HIGHEST
    h = (jnp.dot(u, w1_ref[0:_D, :], precision=hi)
         + jnp.dot(ea, w1_ref[_D:2 * _D, :], precision=hi)
         + jnp.dot(na, w1_ref[2 * _D:3 * _D, :], precision=hi)
         + b1_ref[...])
    h = jnp.maximum(h, 0.0)
    h2 = jnp.dot(h, w2_ref[...], precision=hi) + b2_ref[...]
    mu = jnp.mean(h2, axis=-1, keepdims=True)
    var = jnp.mean((h2 - mu) * (h2 - mu), axis=-1, keepdims=True)
    o_ref[...] = (h2 - mu) * lax.rsqrt(var + 1e-5) * g_ref[...] + be_ref[...]


_tc_mlp = pl.pallas_call(
    _tc_body,
    out_shape=jax.ShapeDtypeStruct((_G, _D), jnp.float32),
)


def kernel(u, edge_attr, x, batch, edge_batch, var_mask, W1, b1, W2, b2, gamma, beta):
    n = x.shape[0]
    xp = jnp.zeros((_NP, _D), jnp.float32).at[0:n].set(x)
    bp = jnp.full((_NP,), _G, jnp.int32).at[0:n].set(batch.astype(jnp.int32))
    mp = jnp.zeros((_NP,), jnp.int32).at[0:n].set(var_mask.astype(jnp.int32))
    z65 = jnp.zeros((_G + 1, _D), jnp.float32)
    eb3 = edge_batch.astype(jnp.int32).reshape(_ECHUNKS, _SUB, 128)
    bp3 = bp.reshape(_NCHUNKS, _SUB, 128)
    mp3 = mp.reshape(_NCHUNKS, _SUB, 128)

    es2, ns2 = _sc_aggregate(edge_attr, eb3, xp, bp3, mp3, z65)
    ecm, ncm = _tc_counts(eb3, bp3, mp3)

    return _tc_mlp(u, es2, ns2, ecm, ncm, W1,
                   b1.reshape(1, -1), W2, b2.reshape(1, -1),
                   gamma.reshape(1, -1), beta.reshape(1, -1))

# --- scband reference (transcript-rebuilt; emitter-appended) ---
"""Pipeline reference for scband-global-model-40278203302103 (READ-ONLY COPY).

The authoritative reference and input builder live on the scoring server;
editing this copy changes nothing except your own understanding.
"""

import jax, jax.numpy as jnp
import numpy as np

NUM_GRAPHS = 64
N_NODES = 10000
N_EDGES = 320000
D = 128
HID = 256
OUT = 128


def setup_inputs(seed: int = 0) -> dict:
    key = jax.random.key(seed)
    ks = jax.random.split(key, 12)
    u = jax.random.normal(ks[0], (NUM_GRAPHS, D), dtype=jnp.float32)
    edge_attr = jax.random.normal(ks[1], (N_EDGES, D), dtype=jnp.float32)
    x = jax.random.normal(ks[2], (N_NODES, D), dtype=jnp.float32)
    batch = jnp.sort(jax.random.randint(ks[3], (N_NODES,), 0, NUM_GRAPHS))
    edge_batch = jnp.sort(jax.random.randint(ks[4], (N_EDGES,), 0, NUM_GRAPHS))
    var_mask = jax.random.randint(ks[5], (N_NODES,), 0, 2).astype(jnp.bool_)
    in_dim = D * 3
    W1 = jax.random.normal(ks[6], (in_dim, HID), dtype=jnp.float32) * (1.0 / np.sqrt(in_dim))
    b1 = jnp.zeros((HID,), dtype=jnp.float32)
    W2 = jax.random.normal(ks[7], (HID, OUT), dtype=jnp.float32) * (1.0 / np.sqrt(HID))
    b2 = jnp.zeros((OUT,), dtype=jnp.float32)
    gamma = jnp.ones((OUT,), dtype=jnp.float32)
    beta = jnp.zeros((OUT,), dtype=jnp.float32)
    return {"u": u, "edge_attr": edge_attr, "x": x, "batch": batch,
            "edge_batch": edge_batch, "var_mask": var_mask,
            "W1": W1, "b1": b1, "W2": W2, "b2": b2, "gamma": gamma, "beta": beta}


def reference(u, edge_attr, x, batch, edge_batch, var_mask, W1, b1, W2, b2, gamma, beta):
    num_graphs = u.shape[0]
    # edge -> global mean via scatter-add + count (scatter mean with dim_size)
    e_sum = jax.ops.segment_sum(edge_attr, edge_batch, num_segments=num_graphs)
    e_cnt = jax.ops.segment_sum(jnp.ones((edge_attr.shape[0],), dtype=edge_attr.dtype),
                                edge_batch, num_segments=num_graphs)
    edge_aggr = e_sum / jnp.clip(e_cnt, 1.0, None)[:, None]
    # variable-node -> global mean, masked by var_mask (x[var_mask] scatter-mean)
    m = var_mask.astype(x.dtype)
    n_sum = jax.ops.segment_sum(x * m[:, None], batch, num_segments=num_graphs)
    n_cnt = jax.ops.segment_sum(m, batch, num_segments=num_graphs)
    node_aggr = n_sum / jnp.clip(n_cnt, 1.0, None)[:, None]
    h = jnp.concatenate([u, edge_aggr, node_aggr], axis=-1)
    h = jax.nn.relu(h @ W1 + b1)
    h = h @ W2 + b2
    # LayerNorm(global_out), eps=1e-5
    mu = jnp.mean(h, axis=-1, keepdims=True)
    var = jnp.var(h, axis=-1, keepdims=True)
    return (h - mu) / jnp.sqrt(var + 1e-5) * gamma + beta

if __name__ == "__main__":
    import jax
    _d = setup_inputs()
    print(jax.jit(kernel)(*tuple(_d.values())))

</pallas_src>

<mosaic_0001>
#map = affine_map<(d0, d1) -> (0, 0)>
#map1 = affine_map<(d0, d1) -> (0, 0, 0)>
module attributes {stable_mosaic.version = 14 : i64} {
  func.func @_sc_body(%arg0: i32, %arg1: i32, %arg2: memref<320000x128xf32, #tpu.memory_space<hbm>>, %arg3: memref<1250x2x128xi32, #tpu.memory_space<hbm>>, %arg4: memref<10240x128xf32, #tpu.memory_space<hbm>>, %arg5: memref<40x2x128xi32, #tpu.memory_space<hbm>>, %arg6: memref<40x2x128xi32, #tpu.memory_space<hbm>>, %arg7: memref<65x128xf32, #tpu.memory_space<hbm>>, %arg8: memref<2x65x128xf32, #tpu.memory_space<hbm>>, %arg9: memref<2x65x128xf32, #tpu.memory_space<hbm>>, %arg10: memref<256x128xf32, #tpu.memory_space<vmem>>, %arg11: memref<256x128xf32, #tpu.memory_space<vmem>>, %arg12: memref<256x128xf32, #tpu.memory_space<vmem>>, %arg13: memref<2x128xi32, #tpu.memory_space<vmem>>, %arg14: memref<2x128xi32, #tpu.memory_space<vmem>>, %arg15: memref<2x128xi32, #tpu.memory_space<vmem>>, %arg16: memref<2x128xi32, #tpu.memory_space<vmem>>, %arg17: memref<2x128xi32, #tpu.memory_space<vmem>>, %arg18: memref<65x128xf32, #tpu.memory_space<vmem_shared>>, %arg19: memref<65x128xf32, #tpu.memory_space<vmem_shared>>, %arg20: memref<!tpu.dma_semaphore, #tpu.memory_space<semaphore_mem>>, %arg21: memref<!tpu.dma_semaphore, #tpu.memory_space<semaphore_mem>>, %arg22: memref<!tpu.dma_semaphore, #tpu.memory_space<semaphore_mem>>, %arg23: memref<!tpu.dma_semaphore, #tpu.memory_space<semaphore_mem>>, %arg24: memref<!tpu.dma_semaphore, #tpu.memory_space<semaphore_mem>>, %arg25: memref<!tpu.dma_semaphore, #tpu.memory_space<semaphore_mem>>, %arg26: memref<!tpu.dma_semaphore, #tpu.memory_space<semaphore_mem>>, %arg27: memref<!tpu.dma_semaphore, #tpu.memory_space<semaphore_mem>>, %arg28: memref<!tpu.dma_semaphore, #tpu.memory_space<semaphore_mem>>) attributes {dimension_semantics = [#tpu.dimension_semantics<core_parallel>, #tpu.dimension_semantics<subcore_parallel>], iteration_bounds = array<i64: 2, 16>, scalar_prefetch = 0 : i64, scratch_operands = 19 : i64, tpu.core_type = #tpu.core_type<sc_vector_subcore>, window_params = [{transform_indices = #map}, {transform_indices = #map1}, {transform_indices = #map}, {transform_indices = #map1}, {transform_indices = #map1}, {transform_indices = #map}, {transform_indices = #map1}, {transform_indices = #map1}]} {
    %mul3A = arith.constant 2 : i32
    %mul3A_0 = arith.muli %arg1, %mul3A : i32
    %add3A = arith.addi %mul3A_0, %arg0 : i32
    %eq3A = arith.constant 0 : i32
    %eq3A_1 = arith.cmpi eq, %arg1, %eq3A : i32
    %convert_element_type3A = arith.extui %eq3A_1 : i1 to i32
    %cond3A = arith.constant 0 : i32
    %cond3A_2 = arith.cmpi ne, %convert_element_type3A, %cond3A : i32
    scf.if %cond3A_2 {
      "tpu.region"() ({
        %run_scoped3A = tpu.sem_alloc : memref<!tpu.dma_semaphore, #tpu.memory_space<semaphore_mem>>
        tpu.enqueue_dma source(%arg7 : memref<65x128xf32, #tpu.memory_space<hbm>>) target(%arg18 : memref<65x128xf32, #tpu.memory_space<vmem_shared>>) target_semaphore(%run_scoped3A : memref<!tpu.dma_semaphore, #tpu.memory_space<semaphore_mem>>)
        tpu.wait_dma2 semaphore(%run_scoped3A : memref<!tpu.dma_semaphore, #tpu.memory_space<semaphore_mem>>) src(%arg7 : memref<65x128xf32, #tpu.memory_space<hbm>>) dst(%arg18 : memref<65x128xf32, #tpu.memory_space<vmem_shared>>)
        tpu.yield
      }) : () -> ()
      "tpu.region"() ({
        %run_scoped3A = tpu.sem_alloc : memref<!tpu.dma_semaphore, #tpu.memory_space<semaphore_mem>>
        tpu.enqueue_dma source(%arg7 : memref<65x128xf32, #tpu.memory_space<hbm>>) target(%arg19 : memref<65x128xf32, #tpu.memory_space<vmem_shared>>) target_semaphore(%run_scoped3A : memref<!tpu.dma_semaphore, #tpu.memory_space<semaphore_mem>>)
        tpu.wait_dma2 semaphore(%run_scoped3A : memref<!tpu.dma_semaphore, #tpu.memory_space<semaphore_mem>>) src(%arg7 : memref<65x128xf32, #tpu.memory_space<hbm>>) dst(%arg19 : memref<65x128xf32, #tpu.memory_space<vmem_shared>>)
        tpu.yield
      }) : () -> ()
    } else {
    }
    %barrier3A = arith.constant 0 : index
    tpu.barrier barrier_id(%barrier3A)
    %mul3A_3 = arith.constant 39 : i32
    %mul3A_4 = arith.muli %add3A, %mul3A_3 : i32
    %add3A_5 = arith.constant 0 : i32
    %add3A_6 = arith.addi %mul3A_4, %add3A_5 : i32
    %mul3A_7 = arith.constant 256 : i32
    %mul3A_8 = arith.muli %add3A_6, %mul3A_7 : i32
    %dma_start3A = arith.constant 0 : i32
    %dma_start3A_9 = tpu.memref_slice %arg2[%mul3A_8, %dma_start3A] : memref<320000x128xf32, #tpu.memory_space<hbm>> -> memref<256x128xf32, #tpu.memory_space<hbm>>
    %dma_start3A_10 = arith.constant 0 : i32
    %dma_start3A_11 = tpu.memref_slice %arg2[%mul3A_8, %dma_start3A_10] : memref<320000x128xf32, #tpu.memory_space<hbm>> -> memref<256x128xf32, #tpu.memory_space<hbm>>
    tpu.enqueue_dma source(%dma_start3A_11 : memref<256x128xf32, #tpu.memory_space<hbm>>) target(%arg10 : memref<256x128xf32, #tpu.memory_space<vmem>>) target_semaphore(%arg20 : memref<!tpu.dma_semaphore, #tpu.memory_space<semaphore_mem>>)
    %dma_start3A_12 = arith.constant 0 : i32
    %dma_start3A_13 = arith.constant 0 : i32
    %dma_start3A_14 = tpu.memref_slice %arg3[%add3A_6, %dma_start3A_12, %dma_start3A_13] : memref<1250x2x128xi32, #tpu.memory_space<hbm>> -> memref<1x2x128xi32, #tpu.memory_space<hbm>>
    %dma_start3A_15 = tpu.memref_squeeze %dma_start3A_14 : memref<1x2x128xi32, #tpu.memory_space<hbm>> -> memref<2x128xi32, #tpu.memory_space<hbm>>
    %dma_start3A_16 = arith.constant 0 : i32
    %dma_start3A_17 = arith.constant 0 : i32
    %dma_start3A_18 = tpu.memref_slice %arg3[%add3A_6, %dma_start3A_16, %dma_start3A_17] : memref<1250x2x128xi32, #tpu.memory_space<hbm>> -> memref<1x2x128xi32, #tpu.memory_space<hbm>>
    %dma_start3A_19 = tpu.memref_squeeze %dma_start3A_18 : memref<1x2x128xi32, #tpu.memory_space<hbm>> -> memref<2x128xi32, #tpu.memory_space<hbm>>
    tpu.enqueue_dma source(%dma_start3A_19 : memref<2x128xi32, #tpu.memory_space<hbm>>) target(%arg13 : memref<2x128xi32, #tpu.memory_space<vmem>>) target_semaphore(%arg23 : memref<!tpu.dma_semaphore, #tpu.memory_space<semaphore_mem>>)
    %mul3A_20 = arith.constant 39 : i32
    %mul3A_21 = arith.muli %add3A, %mul3A_20 : i32
    %add3A_22 = arith.constant 1 : i32
    %add3A_23 = arith.addi %mul3A_21, %add3A_22 : i32
    %mul3A_24 = arith.constant 256 : i32
    %mul3A_25 = arith.muli %add3A_23, %mul3A_24 : i32
    %dma_start3A_26 = arith.constant 0 : i32
    %dma_start3A_27 = tpu.memref_slice %arg2[%mul3A_25, %dma_start3A_26] : memref<320000x128xf32, #tpu.memory_space<hbm>> -> memref<256x128xf32, #tpu.memory_space<hbm>>
    %dma_start3A_28 = arith.constant 0 : i32
    %dma_start3A_29 = tpu.memref_slice %arg2[%mul3A_25, %dma_start3A_28] : memref<320000x128xf32, #tpu.memory_space<hbm>> -> memref<256x128xf32, #tpu.memory_space<hbm>>
    tpu.enqueue_dma source(%dma_start3A_29 : memref<256x128xf32, #tpu.memory_space<hbm>>) target(%arg11 : memref<256x128xf32, #tpu.memory_space<vmem>>) target_semaphore(%arg21 : memref<!tpu.dma_semaphore, #tpu.memory_space<semaphore_mem>>)
    %dma_start3A_30 = arith.constant 0 : i32
    %dma_start3A_31 = arith.constant 0 : i32
    %dma_start3A_32 = tpu.memref_slice %arg3[%add3A_23, %dma_start3A_30, %dma_start3A_31] : memref<1250x2x128xi32, #tpu.memory_space<hbm>> -> memref<1x2x128xi32, #tpu.memory_space<hbm>>
    %dma_start3A_33 = tpu.memref_squeeze %dma_start3A_32 : memref<1x2x128xi32, #tpu.memory_space<hbm>> -> memref<2x128xi32, #tpu.memory_space<hbm>>
    %dma_start3A_34 = arith.constant 0 : i32
    %dma_start3A_35 = arith.constant 0 : i32
    %dma_start3A_36 = tpu.memref_slice %arg3[%add3A_23, %dma_start3A_34, %dma_start3A_35] : memref<1250x2x128xi32, #tpu.memory_space<hbm>> -> memref<1x2x128xi32, #tpu.memory_space<hbm>>
    %dma_start3A_37 = tpu.memref_squeeze %dma_start3A_36 : memref<1x2x128xi32, #tpu.memory_space<hbm>> -> memref<2x128xi32, #tpu.memory_space<hbm>>
    tpu.enqueue_dma source(%dma_start3A_37 : memref<2x128xi32, #tpu.memory_space<hbm>>) target(%arg14 : memref<2x128xi32, #tpu.memory_space<vmem>>) target_semaphore(%arg24 : memref<!tpu.dma_semaphore, #tpu.memory_space<semaphore_mem>>)
    %scan3A = arith.constant 0 : i32
    %scan3A_38 = arith.constant 0 : i32
    %scan3A_39 = arith.constant 13 : i32
    %scan3A_40 = arith.addi %scan3A_38, %scan3A_39 : i32
    %scan3A_41 = arith.constant 1 : i32
    scf.for %scan3A_101 = %scan3A_38 to %scan3A_40 step %scan3A_41  : i32 {
      %mul3A_102 = arith.constant 3 : i32
      %mul3A_103 = arith.muli %scan3A_101, %mul3A_102 : i32
      %add3A_104 = arith.constant 0 : i32
      %add3A_105 = arith.addi %mul3A_103, %add3A_104 : i32
      %mul3A_106 = arith.constant 39 : i32
      %mul3A_107 = arith.muli %add3A, %mul3A_106 : i32
      %add3A_108 = arith.addi %mul3A_107, %add3A_105 : i32
      %mul3A_109 = arith.constant 256 : i32
      %mul3A_110 = arith.muli %add3A_108, %mul3A_109 : i32
      %dma_wait3A_111 = arith.constant 0 : i32
      %dma_wait3A_112 = tpu.memref_slice %arg2[%mul3A_110, %dma_wait3A_111] : memref<320000x128xf32, #tpu.memory_space<hbm>> -> memref<256x128xf32, #tpu.memory_space<hbm>>
      %dma_wait3A_113 = arith.constant 0 : i32
      %dma_wait3A_114 = tpu.memref_slice %arg2[%mul3A_110, %dma_wait3A_113] : memref<320000x128xf32, #tpu.memory_space<hbm>> -> memref<256x128xf32, #tpu.memory_space<hbm>>
      tpu.wait_dma2 semaphore(%arg20 : memref<!tpu.dma_semaphore, #tpu.memory_space<semaphore_mem>>) src(%dma_wait3A_114 : memref<256x128xf32, #tpu.memory_space<hbm>>) dst(%arg10 : memref<256x128xf32, #tpu.memory_space<vmem>>)
      %dma_wait3A_115 = arith.constant 0 : i32
      %dma_wait3A_116 = arith.constant 0 : i32
      %dma_wait3A_117 = tpu.memref_slice %arg3[%add3A_108, %dma_wait3A_115, %dma_wait3A_116] : memref<1250x2x128xi32, #tpu.memory_space<hbm>> -> memref<1x2x128xi32, #tpu.memory_space<hbm>>
      %dma_wait3A_118 = tpu.memref_squeeze %dma_wait3A_117 : memref<1x2x128xi32, #tpu.memory_space<hbm>> -> memref<2x128xi32, #tpu.memory_space<hbm>>
      %dma_wait3A_119 = arith.constant 0 : i32
      %dma_wait3A_120 = arith.constant 0 : i32
      %dma_wait3A_121 = tpu.memref_slice %arg3[%add3A_108, %dma_wait3A_119, %dma_wait3A_120] : memref<1250x2x128xi32, #tpu.memory_space<hbm>> -> memref<1x2x128xi32, #tpu.memory_space<hbm>>
      %dma_wait3A_122 = tpu.memref_squeeze %dma_wait3A_121 : memref<1x2x128xi32, #tpu.memory_space<hbm>> -> memref<2x128xi32, #tpu.memory_space<hbm>>
      tpu.wait_dma2 semaphore(%arg23 : memref<!tpu.dma_semaphore, #tpu.memory_space<semaphore_mem>>) src(%dma_wait3A_122 : memref<2x128xi32, #tpu.memory_space<hbm>>) dst(%arg13 : memref<2x128xi32, #tpu.memory_space<vmem>>)
      %ge3A = arith.constant 1 : i32
      %ge3A_123 = arith.cmpi sge, %add3A_105, %ge3A : i32
      %convert_element_type3A_124 = arith.extui %ge3A_123 : i1 to i32
      %cond3A_125 = arith.constant 0 : i32
      %cond3A_126 = arith.cmpi ne, %convert_element_type3A_124, %cond3A_125 : i32
      scf.if %cond3A_126 {
        %dma_wait3A_260 = arith.constant 0 : i32
        %dma_wait3A_261 = arith.constant 0 : i32
        %dma_wait3A_262 = arith.constant 0 : i32
        %dma_wait3A_263 = tpu.memref_slice %arg12[%dma_wait3A_261, %dma_wait3A_262] : memref<256x128xf32, #tpu.memory_space<vmem>> -> memref<128x128xf32, #tpu.memory_space<vmem>>
        %dma_wait3A_264 = arith.constant 0 : i32
        %dma_wait3A_265 = tpu.memref_slice %arg15[%dma_wait3A_260, %dma_wait3A_264] : memref<2x128xi32, #tpu.memory_space<vmem>> -> memref<1x128xi32, #tpu.memory_space<vmem>>
        %dma_wait3A_266 = tpu.memref_squeeze %dma_wait3A_265 : memref<1x128xi32, #tpu.memory_space<vmem>> -> memref<128xi32, #tpu.memory_space<vmem>>
        %dma_wait3A_267 = arith.constant 0 : i32
        %dma_wait3A_268 = arith.constant 0 : i32
        %dma_wait3A_269 = tpu.memref_slice %arg18[%dma_wait3A_267, %dma_wait3A_268] : memref<65x128xf32, #tpu.memory_space<vmem_shared>> -> memref<65x128xf32, #tpu.memory_space<vmem_shared>>
        tpu.wait_indirect_dma semaphore(%arg28 : memref<!tpu.dma_semaphore, #tpu.memory_space<semaphore_mem>>) src(%dma_wait3A_263 : memref<128x128xf32, #tpu.memory_space<vmem>>) dst(%dma_wait3A_269 : memref<65x128xf32, #tpu.memory_space<vmem_shared>>)
        %dma_wait3A_270 = arith.constant 1 : i32
        %dma_wait3A_271 = arith.constant 128 : i32
        %dma_wait3A_272 = arith.constant 0 : i32
        %dma_wait3A_273 = tpu.memref_slice %arg12[%dma_wait3A_271, %dma_wait3A_272] : memref<256x128xf32, #tpu.memory_space<vmem>> -> memref<128x128xf32, #tpu.memory_space<vmem>>
        %dma_wait3A_274 = arith.constant 0 : i32
        %dma_wait3A_275 = tpu.memref_slice %arg15[%dma_wait3A_270, %dma_wait3A_274] : memref<2x128xi32, #tpu.memory_space<vmem>> -> memref<1x128xi32, #tpu.memory_space<vmem>>
        %dma_wait3A_276 = tpu.memref_squeeze %dma_wait3A_275 : memref<1x128xi32, #tpu.memory_space<vmem>> -> memref<128xi32, #tpu.memory_space<vmem>>
        %dma_wait3A_277 = arith.constant 0 : i32
        %dma_wait3A_278 = arith.constant 0 : i32
        %dma_wait3A_279 = tpu.memref_slice %arg18[%dma_wait3A_277, %dma_wait3A_278] : memref<65x128xf32, #tpu.memory_space<vmem_shared>> -> memref<65x128xf32, #tpu.memory_space<vmem_shared>>
        tpu.wait_indirect_dma semaphore(%arg28 : memref<!tpu.dma_semaphore, #tpu.memory_space<semaphore_mem>>) src(%dma_wait3A_273 : memref<128x128xf32, #tpu.memory_space<vmem>>) dst(%dma_wait3A_279 : memref<65x128xf32, #tpu.memory_space<vmem_shared>>)
      } else {
      }
      %add3A_127 = arith.constant 2 : i32
      %add3A_128 = arith.addi %add3A_105, %add3A_127 : i32
      %lt3A_129 = arith.constant 39 : i32
      %lt3A_130 = arith.cmpi slt, %add3A_128, %lt3A_129 : i32
      %convert_element_type3A_131 = arith.extui %lt3A_130 : i1 to i32
      %cond3A_132 = arith.constant 0 : i32
      %cond3A_133 = arith.cmpi ne, %convert_element_type3A_131, %cond3A_132 : i32
      scf.if %cond3A_133 {
        %add3A_260 = arith.constant 2 : i32
        %add3A_261 = arith.addi %add3A_105, %add3A_260 : i32
        %mul3A_262 = arith.constant 39 : i32
        %mul3A_263 = arith.muli %add3A, %mul3A_262 : i32
        %add3A_264 = arith.addi %mul3A_263, %add3A_261 : i32
        %mul3A_265 = arith.constant 256 : i32
        %mul3A_266 = arith.muli %add3A_264, %mul3A_265 : i32
        %dma_start3A_267 = arith.constant 0 : i32
        %dma_start3A_268 = tpu.memref_slice %arg2[%mul3A_266, %dma_start3A_267] : memref<320000x128xf32, #tpu.memory_space<hbm>> -> memref<256x128xf32, #tpu.memory_space<hbm>>
        %dma_start3A_269 = arith.constant 0 : i32
        %dma_start3A_270 = tpu.memref_slice %arg2[%mul3A_266, %dma_start3A_269] : memref<320000x128xf32, #tpu.memory_space<hbm>> -> memref<256x128xf32, #tpu.memory_space<hbm>>
        tpu.enqueue_dma source(%dma_start3A_270 : memref<256x128xf32, #tpu.memory_space<hbm>>) target(%arg12 : memref<256x128xf32, #tpu.memory_space<vmem>>) target_semaphore(%arg22 : memref<!tpu.dma_semaphore, #tpu.memory_space<semaphore_mem>>)
        %dma_start3A_271 = arith.constant 0 : i32
        %dma_start3A_272 = arith.constant 0 : i32
        %dma_start3A_273 = tpu.memref_slice %arg3[%add3A_264, %dma_start3A_271, %dma_start3A_272] : memref<1250x2x128xi32, #tpu.memory_space<hbm>> -> memref<1x2x128xi32, #tpu.memory_space<hbm>>
        %dma_start3A_274 = tpu.memref_squeeze %dma_start3A_273 : memref<1x2x128xi32, #tpu.memory_space<hbm>> -> memref<2x128xi32, #tpu.memory_space<hbm>>
        %dma_start3A_275 = arith.constant 0 : i32
        %dma_start3A_276 = arith.constant 0 : i32
        %dma_start3A_277 = tpu.memref_slice %arg3[%add3A_264, %dma_start3A_275, %dma_start3A_276] : memref<1250x2x128xi32, #tpu.memory_space<hbm>> -> memref<1x2x128xi32, #tpu.memory_space<hbm>>
        %dma_start3A_278 = tpu.memref_squeeze %dma_start3A_277 : memref<1x2x128xi32, #tpu.memory_space<hbm>> -> memref<2x128xi32, #tpu.memory_space<hbm>>
        tpu.enqueue_dma source(%dma_start3A_278 : memref<2x128xi32, #tpu.memory_space<hbm>>) target(%arg15 : memref<2x128xi32, #tpu.memory_space<vmem>>) target_semaphore(%arg25 : memref<!tpu.dma_semaphore, #tpu.memory_space<semaphore_mem>>)
      } else {
      }
      %dma_start3A_134 = arith.constant 0 : i32
      %dma_start3A_135 = arith.constant 0 : i32
      %dma_start3A_136 = arith.constant 0 : i32
      %dma_start3A_137 = tpu.memref_slice %arg10[%dma_start3A_135, %dma_start3A_136] : memref<256x128xf32, #tpu.memory_space<vmem>> -> memref<128x128xf32, #tpu.memory_space<vmem>>
      %dma_start3A_138 = arith.constant 0 : i32
      %dma_start3A_139 = tpu.memref_slice %arg13[%dma_start3A_134, %dma_start3A_138] : memref<2x128xi32, #tpu.memory_space<vmem>> -> memref<1x128xi32, #tpu.memory_space<vmem>>
      %dma_start3A_140 = tpu.memref_squeeze %dma_start3A_139 : memref<1x128xi32, #tpu.memory_space<vmem>> -> memref<128xi32, #tpu.memory_space<vmem>>
      %dma_start3A_141 = arith.constant 0 : i32
      %dma_start3A_142 = arith.constant 0 : i32
      %dma_start3A_143 = tpu.memref_slice %arg18[%dma_start3A_141, %dma_start3A_142] : memref<65x128xf32, #tpu.memory_space<vmem_shared>> -> memref<65x128xf32, #tpu.memory_space<vmem_shared>>
      tpu.enqueue_indirect_dma source(%dma_start3A_137 : memref<128x128xf32, #tpu.memory_space<vmem>>) target(%dma_start3A_143 : memref<65x128xf32, #tpu.memory_space<vmem_shared>>) offsets(%dma_start3A_140 : memref<128xi32, #tpu.memory_space<vmem>>) semaphore(%arg26 : memref<!tpu.dma_semaphore, #tpu.memory_space<semaphore_mem>>) {add = true}
      %dma_start3A_144 = arith.constant 1 : i32
      %dma_start3A_145 = arith.constant 128 : i32
      %dma_start3A_146 = arith.constant 0 : i32
      %dma_start3A_147 = tpu.memref_slice %arg10[%dma_start3A_145, %dma_start3A_146] : memref<256x128xf32, #tpu.memory_space<vmem>> -> memref<128x128xf32, #tpu.memory_space<vmem>>
      %dma_start3A_148 = arith.constant 0 : i32
      %dma_start3A_149 = tpu.memref_slice %arg13[%dma_start3A_144, %dma_start3A_148] : memref<2x128xi32, #tpu.memory_space<vmem>> -> memref<1x128xi32, #tpu.memory_space<vmem>>
      %dma_start3A_150 = tpu.memref_squeeze %dma_start3A_149 : memref<1x128xi32, #tpu.memory_space<vmem>> -> memref<128xi32, #tpu.memory_space<vmem>>
      %dma_start3A_151 = arith.constant 0 : i32
      %dma_start3A_152 = arith.constant 0 : i32
      %dma_start3A_153 = tpu.memref_slice %arg18[%dma_start3A_151, %dma_start3A_152] : memref<65x128xf32, #tpu.memory_space<vmem_shared>> -> memref<65x128xf32, #tpu.memory_space<vmem_shared>>
      tpu.enqueue_indirect_dma source(%dma_start3A_147 : memref<128x128xf32, #tpu.memory_space<vmem>>) target(%dma_start3A_153 : memref<65x128xf32, #tpu.memory_space<vmem_shared>>) offsets(%dma_start3A_150 : memref<128xi32, #tpu.memory_space<vmem>>) semaphore(%arg26 : memref<!tpu.dma_semaphore, #tpu.memory_space<semaphore_mem>>) {add = true}
      %mul3A_154 = arith.constant 3 : i32
      %mul3A_155 = arith.muli %scan3A_101, %mul3A_154 : i32
      %add3A_156 = arith.constant 1 : i32
      %add3A_157 = arith.addi %mul3A_155, %add3A_156 : i32
      %mul3A_158 = arith.constant 39 : i32
      %mul3A_159 = arith.muli %add3A, %mul3A_158 : i32
      %add3A_160 = arith.addi %mul3A_159, %add3A_157 : i32
      %mul3A_161 = arith.constant 256 : i32
      %mul3A_162 = arith.muli %add3A_160, %mul3A_161 : i32
      %dma_wait3A_163 = arith.constant 0 : i32
      %dma_wait3A_164 = tpu.memref_slice %arg2[%mul3A_162, %dma_wait3A_163] : memref<320000x128xf32, #tpu.memory_space<hbm>> -> memref<256x128xf32, #tpu.memory_space<hbm>>
      %dma_wait3A_165 = arith.constant 0 : i32
      %dma_wait3A_166 = tpu.memref_slice %arg2[%mul3A_162, %dma_wait3A_165] : memref<320000x128xf32, #tpu.memory_space<hbm>> -> memref<256x128xf32, #tpu.memory_space<hbm>>
      tpu.wait_dma2 semaphore(%arg21 : memref<!tpu.dma_semaphore, #tpu.memory_space<semaphore_mem>>) src(%dma_wait3A_166 : memref<256x128xf32, #tpu.memory_space<hbm>>) dst(%arg11 : memref<256x128xf32, #tpu.memory_space<vmem>>)
      %dma_wait3A_167 = arith.constant 0 : i32
      %dma_wait3A_168 = arith.constant 0 : i32
      %dma_wait3A_169 = tpu.memref_slice %arg3[%add3A_160, %dma_wait3A_167, %dma_wait3A_168] : memref<1250x2x128xi32, #tpu.memory_space<hbm>> -> memref<1x2x128xi32, #tpu.memory_space<hbm>>
      %dma_wait3A_170 = tpu.memref_squeeze %dma_wait3A_169 : memref<1x2x128xi32, #tpu.memory_space<hbm>> -> memref<2x128xi32, #tpu.memory_space<hbm>>
      %dma_wait3A_171 = arith.constant 0 : i32
      %dma_wait3A_172 = arith.constant 0 : i32
      %dma_wait3A_173 = tpu.memref_slice %arg3[%add3A_160, %dma_wait3A_171, %dma_wait3A_172] : memref<1250x2x128xi32, #tpu.memory_space<hbm>> -> memref<1x2x128xi32, #tpu.memory_space<hbm>>
      %dma_wait3A_174 = tpu.memref_squeeze %dma_wait3A_173 : memref<1x2x128xi32, #tpu.memory_space<hbm>> -> memref<2x128xi32, #tpu.memory_space<hbm>>
      tpu.wait_dma2 semaphore(%arg24 : memref<!tpu.dma_semaphore, #tpu.memory_space<semaphore_mem>>) src(%dma_wait3A_174 : memref<2x128xi32, #tpu.memory_space<hbm>>) dst(%arg14 : memref<2x128xi32, #tpu.memory_space<vmem>>)
      %ge3A_175 = arith.constant 1 : i32
      %ge3A_176 = arith.cmpi sge, %add3A_157, %ge3A_175 : i32
      %convert_element_type3A_177 = arith.extui %ge3A_176 : i1 to i32
      %cond3A_178 = arith.constant 0 : i32
      %cond3A_179 = arith.cmpi ne, %convert_element_type3A_177, %cond3A_178 : i32
      scf.if %cond3A_179 {
        %dma_wait3A_260 = arith.constant 0 : i32
        %dma_wait3A_261 = arith.constant 0 : i32
        %dma_wait3A_262 = arith.constant 0 : i32
        %dma_wait3A_263 = tpu.memref_slice %arg10[%dma_wait3A_261, %dma_wait3A_262] : memref<256x128xf32, #tpu.memory_space<vmem>> -> memref<128x128xf32, #tpu.memory_space<vmem>>
        %dma_wait3A_264 = arith.constant 0 : i32
        %dma_wait3A_265 = tpu.memref_slice %arg13[%dma_wait3A_260, %dma_wait3A_264] : memref<2x128xi32, #tpu.memory_space<vmem>> -> memref<1x128xi32, #tpu.memory_space<vmem>>
        %dma_wait3A_266 = tpu.memref_squeeze %dma_wait3A_265 : memref<1x128xi32, #tpu.memory_space<vmem>> -> memref<128xi32, #tpu.memory_space<vmem>>
        %dma_wait3A_267 = arith.constant 0 : i32
        %dma_wait3A_268 = arith.constant 0 : i32
        %dma_wait3A_269 = tpu.memref_slice %arg18[%dma_wait3A_267, %dma_wait3A_268] : memref<65x128xf32, #tpu.memory_space<vmem_shared>> -> memref<65x128xf32, #tpu.memory_space<vmem_shared>>
        tpu.wait_indirect_dma semaphore(%arg26 : memref<!tpu.dma_semaphore, #tpu.memory_space<semaphore_mem>>) src(%dma_wait3A_263 : memref<128x128xf32, #tpu.memory_space<vmem>>) dst(%dma_wait3A_269 : memref<65x128xf32, #tpu.memory_space<vmem_shared>>)
        %dma_wait3A_270 = arith.constant 1 : i32
        %dma_wait3A_271 = arith.constant 128 : i32
        %dma_wait3A_272 = arith.constant 0 : i32
        %dma_wait3A_273 = tpu.memref_slice %arg10[%dma_wait3A_271, %dma_wait3A_272] : memref<256x128xf32, #tpu.memory_space<vmem>> -> memref<128x128xf32, #tpu.memory_space<vmem>>
        %dma_wait3A_274 = arith.constant 0 : i32
        %dma_wait3A_275 = tpu.memref_slice %arg13[%dma_wait3A_270, %dma_wait3A_274] : memref<2x128xi32, #tpu.memory_space<vmem>> -> memref<1x128xi32, #tpu.memory_space<vmem>>
        %dma_wait3A_276 = tpu.memref_squeeze %dma_wait3A_275 : memref<1x128xi32, #tpu.memory_space<vmem>> -> memref<128xi32, #tpu.memory_space<vmem>>
        %dma_wait3A_277 = arith.constant 0 : i32
        %dma_wait3A_278 = arith.constant 0 : i32
        %dma_wait3A_279 = tpu.memref_slice %arg18[%dma_wait3A_277, %dma_wait3A_278] : memref<65x128xf32, #tpu.memory_space<vmem_shared>> -> memref<65x128xf32, #tpu.memory_space<vmem_shared>>
        tpu.wait_indirect_dma semaphore(%arg26 : memref<!tpu.dma_semaphore, #tpu.memory_space<semaphore_mem>>) src(%dma_wait3A_273 : memref<128x128xf32, #tpu.memory_space<vmem>>) dst(%dma_wait3A_279 : memref<65x128xf32, #tpu.memory_space<vmem_shared>>)
      } else {
      }
      %add3A_180 = arith.constant 2 : i32
      %add3A_181 = arith.addi %add3A_157, %add3A_180 : i32
      %lt3A_182 = arith.constant 39 : i32
      %lt3A_183 = arith.cmpi slt, %add3A_181, %lt3A_182 : i32
      %convert_element_type3A_184 = arith.extui %lt3A_183 : i1 to i32
      %cond3A_185 = arith.constant 0 : i32
      %cond3A_186 = arith.cmpi ne, %convert_element_type3A_184, %cond3A_185 : i32
      scf.if %cond3A_186 {
        %add3A_260 = arith.constant 2 : i32
        %add3A_261 = arith.addi %add3A_157, %add3A_260 : i32
        %mul3A_262 = arith.constant 39 : i32
        %mul3A_263 = arith.muli %add3A, %mul3A_262 : i32
        %add3A_264 = arith.addi %mul3A_263, %add3A_261 : i32
        %mul3A_265 = arith.constant 256 : i32
        %mul3A_266 = arith.muli %add3A_264, %mul3A_265 : i32
        %dma_start3A_267 = arith.constant 0 : i32
        %dma_start3A_268 = tpu.memref_slice %arg2[%mul3A_266, %dma_start3A_267] : memref<320000x128xf32, #tpu.memory_space<hbm>> -> memref<256x128xf32, #tpu.memory_space<hbm>>
        %dma_start3A_269 = arith.constant 0 : i32
        %dma_start3A_270 = tpu.memref_slice %arg2[%mul3A_266, %dma_start3A_269] : memref<320000x128xf32, #tpu.memory_space<hbm>> -> memref<256x128xf32, #tpu.memory_space<hbm>>
        tpu.enqueue_dma source(%dma_start3A_270 : memref<256x128xf32, #tpu.memory_space<hbm>>) target(%arg10 : memref<256x128xf32, #tpu.memory_space<vmem>>) target_semaphore(%arg20 : memref<!tpu.dma_semaphore, #tpu.memory_space<semaphore_mem>>)
        %dma_start3A_271 = arith.constant 0 : i32
        %dma_start3A_272 = arith.constant 0 : i32
        %dma_start3A_273 = tpu.memref_slice %arg3[%add3A_264, %dma_start3A_271, %dma_start3A_272] : memref<1250x2x128xi32, #tpu.memory_space<hbm>> -> memref<1x2x128xi32, #tpu.memory_space<hbm>>
        %dma_start3A_274 = tpu.memref_squeeze %dma_start3A_273 : memref<1x2x128xi32, #tpu.memory_space<hbm>> -> memref<2x128xi32, #tpu.memory_space<hbm>>
        %dma_start3A_275 = arith.constant 0 : i32
        %dma_start3A_276 = arith.constant 0 : i32
        %dma_start3A_277 = tpu.memref_slice %arg3[%add3A_264, %dma_start3A_275, %dma_start3A_276] : memref<1250x2x128xi32, #tpu.memory_space<hbm>> -> memref<1x2x128xi32, #tpu.memory_space<hbm>>
        %dma_start3A_278 = tpu.memref_squeeze %dma_start3A_277 : memref<1x2x128xi32, #tpu.memory_space<hbm>> -> memref<2x128xi32, #tpu.memory_space<hbm>>
        tpu.enqueue_dma source(%dma_start3A_278 : memref<2x128xi32, #tpu.memory_space<hbm>>) target(%arg13 : memref<2x128xi32, #tpu.memory_space<vmem>>) target_semaphore(%arg23 : memref<!tpu.dma_semaphore, #tpu.memory_space<semaphore_mem>>)
      } else {
      }
      %dma_start3A_187 = arith.constant 0 : i32
      %dma_start3A_188 = arith.constant 0 : i32
      %dma_start3A_189 = arith.constant 0 : i32
      %dma_start3A_190 = tpu.memref_slice %arg11[%dma_start3A_188, %dma_start3A_189] : memref<256x128xf32, #tpu.memory_space<vmem>> -> memref<128x128xf32, #tpu.memory_space<vmem>>
      %dma_start3A_191 = arith.constant 0 : i32
      %dma_start3A_192 = tpu.memref_slice %arg14[%dma_start3A_187, %dma_start3A_191] : memref<2x128xi32, #tpu.memory_space<vmem>> -> memref<1x128xi32, #tpu.memory_space<vmem>>
      %dma_start3A_193 = tpu.memref_squeeze %dma_start3A_192 : memref<1x128xi32, #tpu.memory_space<vmem>> -> memref<128xi32, #tpu.memory_space<vmem>>
      %dma_start3A_194 = arith.constant 0 : i32
      %dma_start3A_195 = arith.constant 0 : i32
      %dma_start3A_196 = tpu.memref_slice %arg18[%dma_start3A_194, %dma_start3A_195] : memref<65x128xf32, #tpu.memory_space<vmem_shared>> -> memref<65x128xf32, #tpu.memory_space<vmem_shared>>
      tpu.enqueue_indirect_dma source(%dma_start3A_190 : memref<128x128xf32, #tpu.memory_space<vmem>>) target(%dma_start3A_196 : memref<65x128xf32, #tpu.memory_space<vmem_shared>>) offsets(%dma_start3A_193 : memref<128xi32, #tpu.memory_space<vmem>>) semaphore(%arg27 : memref<!tpu.dma_semaphore, #tpu.memory_space<semaphore_mem>>) {add = true}
      %dma_start3A_197 = arith.constant 1 : i32
      %dma_start3A_198 = arith.constant 128 : i32
      %dma_start3A_199 = arith.constant 0 : i32
      %dma_start3A_200 = tpu.memref_slice %arg11[%dma_start3A_198, %dma_start3A_199] : memref<256x128xf32, #tpu.memory_space<vmem>> -> memref<128x128xf32, #tpu.memory_space<vmem>>
      %dma_start3A_201 = arith.constant 0 : i32
      %dma_start3A_202 = tpu.memref_slice %arg14[%dma_start3A_197, %dma_start3A_201] : memref<2x128xi32, #tpu.memory_space<vmem>> -> memref<1x128xi32, #tpu.memory_space<vmem>>
      %dma_start3A_203 = tpu.memref_squeeze %dma_start3A_202 : memref<1x128xi32, #tpu.memory_space<vmem>> -> memref<128xi32, #tpu.memory_space<vmem>>
      %dma_start3A_204 = arith.constant 0 : i32
      %dma_start3A_205 = arith.constant 0 : i32
      %dma_start3A_206 = tpu.memref_slice %arg18[%dma_start3A_204, %dma_start3A_205] : memref<65x128xf32, #tpu.memory_space<vmem_shared>> -> memref<65x128xf32, #tpu.memory_space<vmem_shared>>
      tpu.enqueue_indirect_dma source(%dma_start3A_200 : memref<128x128xf32, #tpu.memory_space<vmem>>) target(%dma_start3A_206 : memref<65x128xf32, #tpu.memory_space<vmem_shared>>) offsets(%dma_start3A_203 : memref<128xi32, #tpu.memory_space<vmem>>) semaphore(%arg27 : memref<!tpu.dma_semaphore, #tpu.memory_space<semaphore_mem>>) {add = true}
      %mul3A_207 = arith.constant 3 : i32
      %mul3A_208 = arith.muli %scan3A_101, %mul3A_207 : i32
      %add3A_209 = arith.constant 2 : i32
      %add3A_210 = arith.addi %mul3A_208, %add3A_209 : i32
      %mul3A_211 = arith.constant 39 : i32
      %mul3A_212 = arith.muli %add3A, %mul3A_211 : i32
      %add3A_213 = arith.addi %mul3A_212, %add3A_210 : i32
      %mul3A_214 = arith.constant 256 : i32
      %mul3A_215 = arith.muli %add3A_213, %mul3A_214 : i32
      %dma_wait3A_216 = arith.constant 0 : i32
      %dma_wait3A_217 = tpu.memref_slice %arg2[%mul3A_215, %dma_wait3A_216] : memref<320000x128xf32, #tpu.memory_space<hbm>> -> memref<256x128xf32, #tpu.memory_space<hbm>>
      %dma_wait3A_218 = arith.constant 0 : i32
      %dma_wait3A_219 = tpu.memref_slice %arg2[%mul3A_215, %dma_wait3A_218] : memref<320000x128xf32, #tpu.memory_space<hbm>> -> memref<256x128xf32, #tpu.memory_space<hbm>>
      tpu.wait_dma2 semaphore(%arg22 : memref<!tpu.dma_semaphore, #tpu.memory_space<semaphore_mem>>) src(%dma_wait3A_219 : memref<256x128xf32, #tpu.memory_space<hbm>>) dst(%arg12 : memref<256x128xf32, #tpu.memory_space<vmem>>)
      %dma_wait3A_220 = arith.constant 0 : i32
      %dma_wait3A_221 = arith.constant 0 : i32
      %dma_wait3A_222 = tpu.memref_slice %arg3[%add3A_213, %dma_wait3A_220, %dma_wait3A_221] : memref<1250x2x128xi32, #tpu.memory_space<hbm>> -> memref<1x2x128xi32, #tpu.memory_space<hbm>>
      %dma_wait3A_223 = tpu.memref_squeeze %dma_wait3A_222 : memref<1x2x128xi32, #tpu.memory_space<hbm>> -> memref<2x128xi32, #tpu.memory_space<hbm>>
      %dma_wait3A_224 = arith.constant 0 : i32
      %dma_wait3A_225 = arith.constant 0 : i32
      %dma_wait3A_226 = tpu.memref_slice %arg3[%add3A_213, %dma_wait3A_224, %dma_wait3A_225] : memref<1250x2x128xi32, #tpu.memory_space<hbm>> -> memref<1x2x128xi32, #tpu.memory_space<hbm>>
      %dma_wait3A_227 = tpu.memref_squeeze %dma_wait3A_226 : memref<1x2x128xi32, #tpu.memory_space<hbm>> -> memref<2x128xi32, #tpu.memory_space<hbm>>
      tpu.wait_dma2 semaphore(%arg25 : memref<!tpu.dma_semaphore, #tpu.memory_space<semaphore_mem>>) src(%dma_wait3A_227 : memref<2x128xi32, #tpu.memory_space<hbm>>) dst(%arg15 : memref<2x128xi32, #tpu.memory_space<vmem>>)
      %ge3A_228 = arith.constant 1 : i32
      %ge3A_229 = arith.cmpi sge, %add3A_210, %ge3A_228 : i32
      %convert_element_type3A_230 = arith.extui %ge3A_229 : i1 to i32
      %cond3A_231 = arith.constant 0 : i32
      %cond3A_232 = arith.cmpi ne, %convert_element_type3A_230, %cond3A_231 : i32
      scf.if %cond3A_232 {
        %dma_wait3A_260 = arith.constant 0 : i32
        %dma_wait3A_261 = arith.constant 0 : i32
        %dma_wait3A_262 = arith.constant 0 : i32
        %dma_wait3A_263 = tpu.memref_slice %arg11[%dma_wait3A_261, %dma_wait3A_262] : memref<256x128xf32, #tpu.memory_space<vmem>> -> memref<128x128xf32, #tpu.memory_space<vmem>>
        %dma_wait3A_264 = arith.constant 0 : i32
        %dma_wait3A_265 = tpu.memref_slice %arg14[%dma_wait3A_260, %dma_wait3A_264] : memref<2x128xi32, #tpu.memory_space<vmem>> -> memref<1x128xi32, #tpu.memory_space<vmem>>
        %dma_wait3A_266 = tpu.memref_squeeze %dma_wait3A_265 : memref<1x128xi32, #tpu.memory_space<vmem>> -> memref<128xi32, #tpu.memory_space<vmem>>
        %dma_wait3A_267 = arith.constant 0 : i32
        %dma_wait3A_268 = arith.constant 0 : i32
        %dma_wait3A_269 = tpu.memref_slice %arg18[%dma_wait3A_267, %dma_wait3A_268] : memref<65x128xf32, #tpu.memory_space<vmem_shared>> -> memref<65x128xf32, #tpu.memory_space<vmem_shared>>
        tpu.wait_indirect_dma semaphore(%arg27 : memref<!tpu.dma_semaphore, #tpu.memory_space<semaphore_mem>>) src(%dma_wait3A_263 : memref<128x128xf32, #tpu.memory_space<vmem>>) dst(%dma_wait3A_269 : memref<65x128xf32, #tpu.memory_space<vmem_shared>>)
        %dma_wait3A_270 = arith.constant 1 : i32
        %dma_wait3A_271 = arith.constant 128 : i32
        %dma_wait3A_272 = arith.constant 0 : i32
        %dma_wait3A_273 = tpu.memref_slice %arg11[%dma_wait3A_271, %dma_wait3A_272] : memref<256x128xf32, #tpu.memory_space<vmem>> -> memref<128x128xf32, #tpu.memory_space<vmem>>
        %dma_wait3A_274 = arith.constant 0 : i32
        %dma_wait3A_275 = tpu.memref_slice %arg14[%dma_wait3A_270, %dma_wait3A_274] : memref<2x128xi32, #tpu.memory_space<vmem>> -> memref<1x128xi32, #tpu.memory_space<vmem>>
        %dma_wait3A_276 = tpu.memref_squeeze %dma_wait3A_275 : memref<1x128xi32, #tpu.memory_space<vmem>> -> memref<128xi32, #tpu.memory_space<vmem>>
        %dma_wait3A_277 = arith.constant 0 : i32
        %dma_wait3A_278 = arith.constant 0 : i32
        %dma_wait3A_279 = tpu.memref_slice %arg18[%dma_wait3A_277, %dma_wait3A_278] : memref<65x128xf32, #tpu.memory_space<vmem_shared>> -> memref<65x128xf32, #tpu.memory_space<vmem_shared>>
        tpu.wait_indirect_dma semaphore(%arg27 : memref<!tpu.dma_semaphore, #tpu.memory_space<semaphore_mem>>) src(%dma_wait3A_273 : memref<128x128xf32, #tpu.memory_space<vmem>>) dst(%dma_wait3A_279 : memref<65x128xf32, #tpu.memory_space<vmem_shared>>)
      } else {
      }
      %add3A_233 = arith.constant 2 : i32
      %add3A_234 = arith.addi %add3A_210, %add3A_233 : i32
      %lt3A_235 = arith.constant 39 : i32
      %lt3A_236 = arith.cmpi slt, %add3A_234, %lt3A_235 : i32
      %convert_element_type3A_237 = arith.extui %lt3A_236 : i1 to i32
      %cond3A_238 = arith.constant 0 : i32
      %cond3A_239 = arith.cmpi ne, %convert_element_type3A_237, %cond3A_238 : i32
      scf.if %cond3A_239 {
        %add3A_260 = arith.constant 2 : i32
        %add3A_261 = arith.addi %add3A_210, %add3A_260 : i32
        %mul3A_262 = arith.constant 39 : i32
        %mul3A_263 = arith.muli %add3A, %mul3A_262 : i32
        %add3A_264 = arith.addi %mul3A_263, %add3A_261 : i32
        %mul3A_265 = arith.constant 256 : i32
        %mul3A_266 = arith.muli %add3A_264, %mul3A_265 : i32
        %dma_start3A_267 = arith.constant 0 : i32
        %dma_start3A_268 = tpu.memref_slice %arg2[%mul3A_266, %dma_start3A_267] : memref<320000x128xf32, #tpu.memory_space<hbm>> -> memref<256x128xf32, #tpu.memory_space<hbm>>
        %dma_start3A_269 = arith.constant 0 : i32
        %dma_start3A_270 = tpu.memref_slice %arg2[%mul3A_266, %dma_start3A_269] : memref<320000x128xf32, #tpu.memory_space<hbm>> -> memref<256x128xf32, #tpu.memory_space<hbm>>
        tpu.enqueue_dma source(%dma_start3A_270 : memref<256x128xf32, #tpu.memory_space<hbm>>) target(%arg11 : memref<256x128xf32, #tpu.memory_space<vmem>>) target_semaphore(%arg21 : memref<!tpu.dma_semaphore, #tpu.memory_space<semaphore_mem>>)
        %dma_start3A_271 = arith.constant 0 : i32
        %dma_start3A_272 = arith.constant 0 : i32
        %dma_start3A_273 = tpu.memref_slice %arg3[%add3A_264, %dma_start3A_271, %dma_start3A_272] : memref<1250x2x128xi32, #tpu.memory_space<hbm>> -> memref<1x2x128xi32, #tpu.memory_space<hbm>>
        %dma_start3A_274 = tpu.memref_squeeze %dma_start3A_273 : memref<1x2x128xi32, #tpu.memory_space<hbm>> -> memref<2x128xi32, #tpu.memory_space<hbm>>
        %dma_start3A_275 = arith.constant 0 : i32
        %dma_start3A_276 = arith.constant 0 : i32
        %dma_start3A_277 = tpu.memref_slice %arg3[%add3A_264, %dma_start3A_275, %dma_start3A_276] : memref<1250x2x128xi32, #tpu.memory_space<hbm>> -> memref<1x2x128xi32, #tpu.memory_space<hbm>>
        %dma_start3A_278 = tpu.memref_squeeze %dma_start3A_277 : memref<1x2x128xi32, #tpu.memory_space<hbm>> -> memref<2x128xi32, #tpu.memory_space<hbm>>
        tpu.enqueue_dma source(%dma_start3A_278 : memref<2x128xi32, #tpu.memory_space<hbm>>) target(%arg14 : memref<2x128xi32, #tpu.memory_space<vmem>>) target_semaphore(%arg24 : memref<!tpu.dma_semaphore, #tpu.memory_space<semaphore_mem>>)
      } else {
      }
      %dma_start3A_240 = arith.constant 0 : i32
      %dma_start3A_241 = arith.constant 0 : i32
      %dma_start3A_242 = arith.constant 0 : i32
      %dma_start3A_243 = tpu.memref_slice %arg12[%dma_start3A_241, %dma_start3A_242] : memref<256x128xf32, #tpu.memory_space<vmem>> -> memref<128x128xf32, #tpu.memory_space<vmem>>
      %dma_start3A_244 = arith.constant 0 : i32
      %dma_start3A_245 = tpu.memref_slice %arg15[%dma_start3A_240, %dma_start3A_244] : memref<2x128xi32, #tpu.memory_space<vmem>> -> memref<1x128xi32, #tpu.memory_space<vmem>>
      %dma_start3A_246 = tpu.memref_squeeze %dma_start3A_245 : memref<1x128xi32, #tpu.memory_space<vmem>> -> memref<128xi32, #tpu.memory_space<vmem>>
      %dma_start3A_247 = arith.constant 0 : i32
      %dma_start3A_248 = arith.constant 0 : i32
      %dma_start3A_249 = tpu.memref_slice %arg18[%dma_start3A_247, %dma_start3A_248] : memref<65x128xf32, #tpu.memory_space<vmem_shared>> -> memref<65x128xf32, #tpu.memory_space<vmem_shared>>
      tpu.enqueue_indirect_dma source(%dma_start3A_243 : memref<128x128xf32, #tpu.memory_space<vmem>>) target(%dma_start3A_249 : memref<65x128xf32, #tpu.memory_space<vmem_shared>>) offsets(%dma_start3A_246 : memref<128xi32, #tpu.memory_space<vmem>>) semaphore(%arg28 : memref<!tpu.dma_semaphore, #tpu.memory_space<semaphore_mem>>) {add = true}
      %dma_start3A_250 = arith.constant 1 : i32
      %dma_start3A_251 = arith.constant 128 : i32
      %dma_start3A_252 = arith.constant 0 : i32
      %dma_start3A_253 = tpu.memref_slice %arg12[%dma_start3A_251, %dma_start3A_252] : memref<256x128xf32, #tpu.memory_space<vmem>> -> memref<128x128xf32, #tpu.memory_space<vmem>>
      %dma_start3A_254 = arith.constant 0 : i32
      %dma_start3A_255 = tpu.memref_slice %arg15[%dma_start3A_250, %dma_start3A_254] : memref<2x128xi32, #tpu.memory_space<vmem>> -> memref<1x128xi32, #tpu.memory_space<vmem>>
      %dma_start3A_256 = tpu.memref_squeeze %dma_start3A_255 : memref<1x128xi32, #tpu.memory_space<vmem>> -> memref<128xi32, #tpu.memory_space<vmem>>
      %dma_start3A_257 = arith.constant 0 : i32
      %dma_start3A_258 = arith.constant 0 : i32
      %dma_start3A_259 = tpu.memref_slice %arg18[%dma_start3A_257, %dma_start3A_258] : memref<65x128xf32, #tpu.memory_space<vmem_shared>> -> memref<65x128xf32, #tpu.memory_space<vmem_shared>>
      tpu.enqueue_indirect_dma source(%dma_start3A_253 : memref<128x128xf32, #tpu.memory_space<vmem>>) target(%dma_start3A_259 : memref<65x128xf32, #tpu.memory_space<vmem_shared>>) offsets(%dma_start3A_256 : memref<128xi32, #tpu.memory_space<vmem>>) semaphore(%arg28 : memref<!tpu.dma_semaphore, #tpu.memory_space<semaphore_mem>>) {add = true}
    }
    %scan3A_42 = arith.constant 13 : i32
    %dma_wait3A = arith.constant 0 : i32
    %dma_wait3A_43 = arith.constant 0 : i32
    %dma_wait3A_44 = arith.constant 0 : i32
    %dma_wait3A_45 = tpu.memref_slice %arg12[%dma_wait3A_43, %dma_wait3A_44] : memref<256x128xf32, #tpu.memory_space<vmem>> -> memref<128x128xf32, #tpu.memory_space<vmem>>
    %dma_wait3A_46 = arith.constant 0 : i32
    %dma_wait3A_47 = tpu.memref_slice %arg15[%dma_wait3A, %dma_wait3A_46] : memref<2x128xi32, #tpu.memory_space<vmem>> -> memref<1x128xi32, #tpu.memory_space<vmem>>
    %dma_wait3A_48 = tpu.memref_squeeze %dma_wait3A_47 : memref<1x128xi32, #tpu.memory_space<vmem>> -> memref<128xi32, #tpu.memory_space<vmem>>
    %dma_wait3A_49 = arith.constant 0 : i32
    %dma_wait3A_50 = arith.constant 0 : i32
    %dma_wait3A_51 = tpu.memref_slice %arg18[%dma_wait3A_49, %dma_wait3A_50] : memref<65x128xf32, #tpu.memory_space<vmem_shared>> -> memref<65x128xf32, #tpu.memory_space<vmem_shared>>
    tpu.wait_indirect_dma semaphore(%arg28 : memref<!tpu.dma_semaphore, #tpu.memory_space<semaphore_mem>>) src(%dma_wait3A_45 : memref<128x128xf32, #tpu.memory_space<vmem>>) dst(%dma_wait3A_51 : memref<65x128xf32, #tpu.memory_space<vmem_shared>>)
    %dma_wait3A_52 = arith.constant 1 : i32
    %dma_wait3A_53 = arith.constant 128 : i32
    %dma_wait3A_54 = arith.constant 0 : i32
    %dma_wait3A_55 = tpu.memref_slice %arg12[%dma_wait3A_53, %dma_wait3A_54] : memref<256x128xf32, #tpu.memory_space<vmem>> -> memref<128x128xf32, #tpu.memory_space<vmem>>
    %dma_wait3A_56 = arith.constant 0 : i32
    %dma_wait3A_57 = tpu.memref_slice %arg15[%dma_wait3A_52, %dma_wait3A_56] : memref<2x128xi32, #tpu.memory_space<vmem>> -> memref<1x128xi32, #tpu.memory_space<vmem>>
    %dma_wait3A_58 = tpu.memref_squeeze %dma_wait3A_57 : memref<1x128xi32, #tpu.memory_space<vmem>> -> memref<128xi32, #tpu.memory_space<vmem>>
    %dma_wait3A_59 = arith.constant 0 : i32
    %dma_wait3A_60 = arith.constant 0 : i32
    %dma_wait3A_61 = tpu.memref_slice %arg18[%dma_wait3A_59, %dma_wait3A_60] : memref<65x128xf32, #tpu.memory_space<vmem_shared>> -> memref<65x128xf32, #tpu.memory_space<vmem_shared>>
    tpu.wait_indirect_dma semaphore(%arg28 : memref<!tpu.dma_semaphore, #tpu.memory_space<semaphore_mem>>) src(%dma_wait3A_55 : memref<128x128xf32, #tpu.memory_space<vmem>>) dst(%dma_wait3A_61 : memref<65x128xf32, #tpu.memory_space<vmem_shared>>)
    %lt3A = arith.constant 2 : i32
    %lt3A_62 = arith.cmpi slt, %add3A, %lt3A : i32
    %convert_element_type3A_63 = arith.extui %lt3A_62 : i1 to i32
    %cond3A_64 = arith.constant 0 : i32
    %cond3A_65 = arith.cmpi ne, %convert_element_type3A_63, %cond3A_64 : i32
    scf.if %cond3A_65 {
      %add3A_101 = arith.constant 1248 : i32
      %add3A_102 = arith.addi %add3A_101, %add3A : i32
      %mul3A_103 = arith.constant 256 : i32
      %mul3A_104 = arith.muli %add3A_102, %mul3A_103 : i32
      "tpu.region"() ({
        %run_scoped3A_106 = tpu.sem_alloc : memref<!tpu.dma_semaphore, #tpu.memory_space<semaphore_mem>>
        %dma_start3A_107 = arith.constant 0 : i32
        %dma_start3A_108 = tpu.memref_slice %arg2[%mul3A_104, %dma_start3A_107] : memref<320000x128xf32, #tpu.memory_space<hbm>> -> memref<256x128xf32, #tpu.memory_space<hbm>>
        %dma_start3A_109 = arith.constant 0 : i32
        %dma_start3A_110 = tpu.memref_slice %arg2[%mul3A_104, %dma_start3A_109] : memref<320000x128xf32, #tpu.memory_space<hbm>> -> memref<256x128xf32, #tpu.memory_space<hbm>>
        tpu.enqueue_dma source(%dma_start3A_110 : memref<256x128xf32, #tpu.memory_space<hbm>>) target(%arg10 : memref<256x128xf32, #tpu.memory_space<vmem>>) target_semaphore(%run_scoped3A_106 : memref<!tpu.dma_semaphore, #tpu.memory_space<semaphore_mem>>)
        %dma_wait3A_111 = arith.constant 0 : i32
        %dma_wait3A_112 = tpu.memref_slice %arg2[%mul3A_104, %dma_wait3A_111] : memref<320000x128xf32, #tpu.memory_space<hbm>> -> memref<256x128xf32, #tpu.memory_space<hbm>>
        %dma_wait3A_113 = arith.constant 0 : i32
        %dma_wait3A_114 = tpu.memref_slice %arg2[%mul3A_104, %dma_wait3A_113] : memref<320000x128xf32, #tpu.memory_space<hbm>> -> memref<256x128xf32, #tpu.memory_space<hbm>>
        tpu.wait_dma2 semaphore(%run_scoped3A_106 : memref<!tpu.dma_semaphore, #tpu.memory_space<semaphore_mem>>) src(%dma_wait3A_114 : memref<256x128xf32, #tpu.memory_space<hbm>>) dst(%arg10 : memref<256x128xf32, #tpu.memory_space<vmem>>)
        tpu.yield
      }) : () -> ()
      "tpu.region"() ({
        %run_scoped3A_106 = tpu.sem_alloc : memref<!tpu.dma_semaphore, #tpu.memory_space<semaphore_mem>>
        %dma_start3A_107 = arith.constant 0 : i32
        %dma_start3A_108 = arith.constant 0 : i32
        %dma_start3A_109 = tpu.memref_slice %arg3[%add3A_102, %dma_start3A_107, %dma_start3A_108] : memref<1250x2x128xi32, #tpu.memory_space<hbm>> -> memref<1x2x128xi32, #tpu.memory_space<hbm>>
        %dma_start3A_110 = tpu.memref_squeeze %dma_start3A_109 : memref<1x2x128xi32, #tpu.memory_space<hbm>> -> memref<2x128xi32, #tpu.memory_space<hbm>>
        %dma_start3A_111 = arith.constant 0 : i32
        %dma_start3A_112 = arith.constant 0 : i32
        %dma_start3A_113 = tpu.memref_slice %arg3[%add3A_102, %dma_start3A_111, %dma_start3A_112] : memref<1250x2x128xi32, #tpu.memory_space<hbm>> -> memref<1x2x128xi32, #tpu.memory_space<hbm>>
        %dma_start3A_114 = tpu.memref_squeeze %dma_start3A_113 : memref<1x2x128xi32, #tpu.memory_space<hbm>> -> memref<2x128xi32, #tpu.memory_space<hbm>>
        tpu.enqueue_dma source(%dma_start3A_114 : memref<2x128xi32, #tpu.memory_space<hbm>>) target(%arg13 : memref<2x128xi32, #tpu.memory_space<vmem>>) target_semaphore(%run_scoped3A_106 : memref<!tpu.dma_semaphore, #tpu.memory_space<semaphore_mem>>)
        %dma_wait3A_115 = arith.constant 0 : i32
        %dma_wait3A_116 = arith.constant 0 : i32
        %dma_wait3A_117 = tpu.memref_slice %arg3[%add3A_102, %dma_wait3A_115, %dma_wait3A_116] : memref<1250x2x128xi32, #tpu.memory_space<hbm>> -> memref<1x2x128xi32, #tpu.memory_space<hbm>>
        %dma_wait3A_118 = tpu.memref_squeeze %dma_wait3A_117 : memref<1x2x128xi32, #tpu.memory_space<hbm>> -> memref<2x128xi32, #tpu.memory_space<hbm>>
        %dma_wait3A_119 = arith.constant 0 : i32
        %dma_wait3A_120 = arith.constant 0 : i32
        %dma_wait3A_121 = tpu.memref_slice %arg3[%add3A_102, %dma_wait3A_119, %dma_wait3A_120] : memref<1250x2x128xi32, #tpu.memory_space<hbm>> -> memref<1x2x128xi32, #tpu.memory_space<hbm>>
        %dma_wait3A_122 = tpu.memref_squeeze %dma_wait3A_121 : memref<1x2x128xi32, #tpu.memory_space<hbm>> -> memref<2x128xi32, #tpu.memory_space<hbm>>
        tpu.wait_dma2 semaphore(%run_scoped3A_106 : memref<!tpu.dma_semaphore, #tpu.memory_space<semaphore_mem>>) src(%dma_wait3A_122 : memref<2x128xi32, #tpu.memory_space<hbm>>) dst(%arg13 : memref<2x128xi32, #tpu.memory_space<vmem>>)
        tpu.yield
      }) : () -> ()
      %run_scoped3A = arith.constant 0 : i32
      "tpu.region"() ({
        %run_scoped3A_106 = tpu.sem_alloc : memref<!tpu.dma_semaphore, #tpu.memory_space<semaphore_mem>>
        %dma_start3A_107 = arith.constant 0 : i32
        %dma_start3A_108 = arith.constant 0 : i32
        %dma_start3A_109 = tpu.memref_slice %arg10[%dma_start3A_107, %dma_start3A_108] : memref<256x128xf32, #tpu.memory_space<vmem>> -> memref<128x128xf32, #tpu.memory_space<vmem>>
        %dma_start3A_110 = arith.constant 0 : i32
        %dma_start3A_111 = tpu.memref_slice %arg13[%run_scoped3A, %dma_start3A_110] : memref<2x128xi32, #tpu.memory_space<vmem>> -> memref<1x128xi32, #tpu.memory_space<vmem>>
        %dma_start3A_112 = tpu.memref_squeeze %dma_start3A_111 : memref<1x128xi32, #tpu.memory_space<vmem>> -> memref<128xi32, #tpu.memory_space<vmem>>
        %dma_start3A_113 = arith.constant 0 : i32
        %dma_start3A_114 = arith.constant 0 : i32
        %dma_start3A_115 = tpu.memref_slice %arg18[%dma_start3A_113, %dma_start3A_114] : memref<65x128xf32, #tpu.memory_space<vmem_shared>> -> memref<65x128xf32, #tpu.memory_space<vmem_shared>>
        tpu.enqueue_indirect_dma source(%dma_start3A_109 : memref<128x128xf32, #tpu.memory_space<vmem>>) target(%dma_start3A_115 : memref<65x128xf32, #tpu.memory_space<vmem_shared>>) offsets(%dma_start3A_112 : memref<128xi32, #tpu.memory_space<vmem>>) semaphore(%run_scoped3A_106 : memref<!tpu.dma_semaphore, #tpu.memory_space<semaphore_mem>>) {add = true}
        %dma_wait3A_116 = arith.constant 0 : i32
        %dma_wait3A_117 = arith.constant 0 : i32
        %dma_wait3A_118 = tpu.memref_slice %arg10[%dma_wait3A_116, %dma_wait3A_117] : memref<256x128xf32, #tpu.memory_space<vmem>> -> memref<128x128xf32, #tpu.memory_space<vmem>>
        %dma_wait3A_119 = arith.constant 0 : i32
        %dma_wait3A_120 = tpu.memref_slice %arg13[%run_scoped3A, %dma_wait3A_119] : memref<2x128xi32, #tpu.memory_space<vmem>> -> memref<1x128xi32, #tpu.memory_space<vmem>>
        %dma_wait3A_121 = tpu.memref_squeeze %dma_wait3A_120 : memref<1x128xi32, #tpu.memory_space<vmem>> -> memref<128xi32, #tpu.memory_space<vmem>>
        %dma_wait3A_122 = arith.constant 0 : i32
        %dma_wait3A_123 = arith.constant 0 : i32
        %dma_wait3A_124 = tpu.memref_slice %arg18[%dma_wait3A_122, %dma_wait3A_123] : memref<65x128xf32, #tpu.memory_space<vmem_shared>> -> memref<65x128xf32, #tpu.memory_space<vmem_shared>>
        tpu.wait_indirect_dma semaphore(%run_scoped3A_106 : memref<!tpu.dma_semaphore, #tpu.memory_space<semaphore_mem>>) src(%dma_wait3A_118 : memref<128x128xf32, #tpu.memory_space<vmem>>) dst(%dma_wait3A_124 : memref<65x128xf32, #tpu.memory_space<vmem_shared>>)
        tpu.yield
      }) : () -> ()
      %run_scoped3A_105 = arith.constant 1 : i32
      "tpu.region"() ({
        %run_scoped3A_106 = tpu.sem_alloc : memref<!tpu.dma_semaphore, #tpu.memory_space<semaphore_mem>>
        %dma_start3A_107 = arith.constant 128 : i32
        %dma_start3A_108 = arith.constant 0 : i32
        %dma_start3A_109 = tpu.memref_slice %arg10[%dma_start3A_107, %dma_start3A_108] : memref<256x128xf32, #tpu.memory_space<vmem>> -> memref<128x128xf32, #tpu.memory_space<vmem>>
        %dma_start3A_110 = arith.constant 0 : i32
        %dma_start3A_111 = tpu.memref_slice %arg13[%run_scoped3A_105, %dma_start3A_110] : memref<2x128xi32, #tpu.memory_space<vmem>> -> memref<1x128xi32, #tpu.memory_space<vmem>>
        %dma_start3A_112 = tpu.memref_squeeze %dma_start3A_111 : memref<1x128xi32, #tpu.memory_space<vmem>> -> memref<128xi32, #tpu.memory_space<vmem>>
        %dma_start3A_113 = arith.constant 0 : i32
        %dma_start3A_114 = arith.constant 0 : i32
        %dma_start3A_115 = tpu.memref_slice %arg18[%dma_start3A_113, %dma_start3A_114] : memref<65x128xf32, #tpu.memory_space<vmem_shared>> -> memref<65x128xf32, #tpu.memory_space<vmem_shared>>
        tpu.enqueue_indirect_dma source(%dma_start3A_109 : memref<128x128xf32, #tpu.memory_space<vmem>>) target(%dma_start3A_115 : memref<65x128xf32, #tpu.memory_space<vmem_shared>>) offsets(%dma_start3A_112 : memref<128xi32, #tpu.memory_space<vmem>>) semaphore(%run_scoped3A_106 : memref<!tpu.dma_semaphore, #tpu.memory_space<semaphore_mem>>) {add = true}
        %dma_wait3A_116 = arith.constant 128 : i32
        %dma_wait3A_117 = arith.constant 0 : i32
        %dma_wait3A_118 = tpu.memref_slice %arg10[%dma_wait3A_116, %dma_wait3A_117] : memref<256x128xf32, #tpu.memory_space<vmem>> -> memref<128x128xf32, #tpu.memory_space<vmem>>
        %dma_wait3A_119 = arith.constant 0 : i32
        %dma_wait3A_120 = tpu.memref_slice %arg13[%run_scoped3A_105, %dma_wait3A_119] : memref<2x128xi32, #tpu.memory_space<vmem>> -> memref<1x128xi32, #tpu.memory_space<vmem>>
        %dma_wait3A_121 = tpu.memref_squeeze %dma_wait3A_120 : memref<1x128xi32, #tpu.memory_space<vmem>> -> memref<128xi32, #tpu.memory_space<vmem>>
        %dma_wait3A_122 = arith.constant 0 : i32
        %dma_wait3A_123 = arith.constant 0 : i32
        %dma_wait3A_124 = tpu.memref_slice %arg18[%dma_wait3A_122, %dma_wait3A_123] : memref<65x128xf32, #tpu.memory_space<vmem_shared>> -> memref<65x128xf32, #tpu.memory_space<vmem_shared>>
        tpu.wait_indirect_dma semaphore(%run_scoped3A_106 : memref<!tpu.dma_semaphore, #tpu.memory_space<semaphore_mem>>) src(%dma_wait3A_118 : memref<128x128xf32, #tpu.memory_space<vmem>>) dst(%dma_wait3A_124 : memref<65x128xf32, #tpu.memory_space<vmem_shared>>)
        tpu.yield
      }) : () -> ()
    } else {
    }
    %sub3A = arith.constant 40 : i32
    %sub3A_66 = arith.subi %sub3A, %add3A : i32
    %add3A_67 = arith.constant 31 : i32
    %add3A_68 = arith.addi %sub3A_66, %add3A_67 : i32
    %jit3A = arith.constant 32 : i32
    %div3A = arith.divsi %add3A_68, %jit3A : i32
    %sign3A = arith.constant 0 : i32
    %sign3A_69 = arith.cmpi sgt, %add3A_68, %sign3A : i32
    %sign3A_70 = arith.extui %sign3A_69 : i1 to i32
    %sign3A_71 = arith.constant 0 : i32
    %sign3A_72 = arith.cmpi slt, %add3A_68, %sign3A_71 : i32
    %sign3A_73 = arith.extui %sign3A_72 : i1 to i32
    %sign3A_74 = arith.subi %sign3A_70, %sign3A_73 : i32
    %sign3A_75 = arith.constant 0 : i32
    %sign3A_76 = arith.cmpi sgt, %jit3A, %sign3A_75 : i32
    %sign3A_77 = arith.extui %sign3A_76 : i1 to i32
    %sign3A_78 = arith.constant 0 : i32
    %sign3A_79 = arith.cmpi slt, %jit3A, %sign3A_78 : i32
    %sign3A_80 = arith.extui %sign3A_79 : i1 to i32
    %sign3A_81 = arith.subi %sign3A_77, %sign3A_80 : i32
    %ne3A = arith.cmpi ne, %sign3A_74, %sign3A_81 : i32
    %rem3A = arith.remsi %add3A_68, %jit3A : i32
    %ne3A_82 = arith.constant 0 : i32
    %ne3A_83 = arith.cmpi ne, %rem3A, %ne3A_82 : i32
    %and3A = arith.andi %ne3A, %ne3A_83 : i1
    %sub3A_84 = arith.constant 1 : i32
    %sub3A_85 = arith.subi %div3A, %sub3A_84 : i32
    %select_n3A = arith.select %and3A, %sub3A_85, %div3A : i32
    %while3A = arith.constant 0 : i32
    %while3A_86 = arith.constant 0 : i32
    %while3A_87 = arith.subi %select_n3A, %while3A_86 : i32
    %while3A_88 = arith.addi %while3A_86, %while3A_87 : i32
    %while3A_89 = arith.constant 1 : i32
    %while3A_90 = arith.divsi %while3A_87, %while3A_89 : i32
    %while3A_91 = arith.muli %while3A_90, %while3A_89 : i32
    %while3A_92 = arith.addi %while3A_86, %while3A_91 : i32
    %while3A_93 = arith.constant 1 : i32
    scf.for %while3A_101 = %while3A_86 to %while3A_92 step %while3A_93  : i32 {
      %mul3A_102 = arith.constant 32 : i32
      %mul3A_103 = arith.muli %while3A_101, %mul3A_102 : i32
      %add3A_104 = arith.addi %add3A, %mul3A_103 : i32
      %mul3A_105 = arith.constant 256 : i32
      %mul3A_106 = arith.muli %add3A_104, %mul3A_105 : i32
      "tpu.region"() ({
        %run_scoped3A_457 = tpu.sem_alloc : memref<!tpu.dma_semaphore, #tpu.memory_space<semaphore_mem>>
        %dma_start3A_458 = arith.constant 0 : i32
        %dma_start3A_459 = tpu.memref_slice %arg4[%mul3A_106, %dma_start3A_458] : memref<10240x128xf32, #tpu.memory_space<hbm>> -> memref<256x128xf32, #tpu.memory_space<hbm>>
        %dma_start3A_460 = arith.constant 0 : i32
        %dma_start3A_461 = tpu.memref_slice %arg4[%mul3A_106, %dma_start3A_460] : memref<10240x128xf32, #tpu.memory_space<hbm>> -> memref<256x128xf32, #tpu.memory_space<hbm>>
        tpu.enqueue_dma source(%dma_start3A_461 : memref<256x128xf32, #tpu.memory_space<hbm>>) target(%arg10 : memref<256x128xf32, #tpu.memory_space<vmem>>) target_semaphore(%run_scoped3A_457 : memref<!tpu.dma_semaphore, #tpu.memory_space<semaphore_mem>>)
        %dma_wait3A_462 = arith.constant 0 : i32
        %dma_wait3A_463 = tpu.memref_slice %arg4[%mul3A_106, %dma_wait3A_462] : memref<10240x128xf32, #tpu.memory_space<hbm>> -> memref<256x128xf32, #tpu.memory_space<hbm>>
        %dma_wait3A_464 = arith.constant 0 : i32
        %dma_wait3A_465 = tpu.memref_slice %arg4[%mul3A_106, %dma_wait3A_464] : memref<10240x128xf32, #tpu.memory_space<hbm>> -> memref<256x128xf32, #tpu.memory_space<hbm>>
        tpu.wait_dma2 semaphore(%run_scoped3A_457 : memref<!tpu.dma_semaphore, #tpu.memory_space<semaphore_mem>>) src(%dma_wait3A_465 : memref<256x128xf32, #tpu.memory_space<hbm>>) dst(%arg10 : memref<256x128xf32, #tpu.memory_space<vmem>>)
        tpu.yield
      }) : () -> ()
      "tpu.region"() ({
        %run_scoped3A_457 = tpu.sem_alloc : memref<!tpu.dma_semaphore, #tpu.memory_space<semaphore_mem>>
        %dma_start3A_458 = arith.constant 0 : i32
        %dma_start3A_459 = arith.constant 0 : i32
        %dma_start3A_460 = tpu.memref_slice %arg5[%add3A_104, %dma_start3A_458, %dma_start3A_459] : memref<40x2x128xi32, #tpu.memory_space<hbm>> -> memref<1x2x128xi32, #tpu.memory_space<hbm>>
        %dma_start3A_461 = tpu.memref_squeeze %dma_start3A_460 : memref<1x2x128xi32, #tpu.memory_space<hbm>> -> memref<2x128xi32, #tpu.memory_space<hbm>>
        %dma_start3A_462 = arith.constant 0 : i32
        %dma_start3A_463 = arith.constant 0 : i32
        %dma_start3A_464 = tpu.memref_slice %arg5[%add3A_104, %dma_start3A_462, %dma_start3A_463] : memref<40x2x128xi32, #tpu.memory_space<hbm>> -> memref<1x2x128xi32, #tpu.memory_space<hbm>>
        %dma_start3A_465 = tpu.memref_squeeze %dma_start3A_464 : memref<1x2x128xi32, #tpu.memory_space<hbm>> -> memref<2x128xi32, #tpu.memory_space<hbm>>
        tpu.enqueue_dma source(%dma_start3A_465 : memref<2x128xi32, #tpu.memory_space<hbm>>) target(%arg16 : memref<2x128xi32, #tpu.memory_space<vmem>>) target_semaphore(%run_scoped3A_457 : memref<!tpu.dma_semaphore, #tpu.memory_space<semaphore_mem>>)
        %dma_wait3A_466 = arith.constant 0 : i32
        %dma_wait3A_467 = arith.constant 0 : i32
        %dma_wait3A_468 = tpu.memref_slice %arg5[%add3A_104, %dma_wait3A_466, %dma_wait3A_467] : memref<40x2x128xi32, #tpu.memory_space<hbm>> -> memref<1x2x128xi32, #tpu.memory_space<hbm>>
        %dma_wait3A_469 = tpu.memref_squeeze %dma_wait3A_468 : memref<1x2x128xi32, #tpu.memory_space<hbm>> -> memref<2x128xi32, #tpu.memory_space<hbm>>
        %dma_wait3A_470 = arith.constant 0 : i32
        %dma_wait3A_471 = arith.constant 0 : i32
        %dma_wait3A_472 = tpu.memref_slice %arg5[%add3A_104, %dma_wait3A_470, %dma_wait3A_471] : memref<40x2x128xi32, #tpu.memory_space<hbm>> -> memref<1x2x128xi32, #tpu.memory_space<hbm>>
        %dma_wait3A_473 = tpu.memref_squeeze %dma_wait3A_472 : memref<1x2x128xi32, #tpu.memory_space<hbm>> -> memref<2x128xi32, #tpu.memory_space<hbm>>
        tpu.wait_dma2 semaphore(%run_scoped3A_457 : memref<!tpu.dma_semaphore, #tpu.memory_space<semaphore_mem>>) src(%dma_wait3A_473 : memref<2x128xi32, #tpu.memory_space<hbm>>) dst(%arg16 : memref<2x128xi32, #tpu.memory_space<vmem>>)
        tpu.yield
      }) : () -> ()
      "tpu.region"() ({
        %run_scoped3A_457 = tpu.sem_alloc : memref<!tpu.dma_semaphore, #tpu.memory_space<semaphore_mem>>
        %dma_start3A_458 = arith.constant 0 : i32
        %dma_start3A_459 = arith.constant 0 : i32
        %dma_start3A_460 = tpu.memref_slice %arg6[%add3A_104, %dma_start3A_458, %dma_start3A_459] : memref<40x2x128xi32, #tpu.memory_space<hbm>> -> memref<1x2x128xi32, #tpu.memory_space<hbm>>
        %dma_start3A_461 = tpu.memref_squeeze %dma_start3A_460 : memref<1x2x128xi32, #tpu.memory_space<hbm>> -> memref<2x128xi32, #tpu.memory_space<hbm>>
        %dma_start3A_462 = arith.constant 0 : i32
        %dma_start3A_463 = arith.constant 0 : i32
        %dma_start3A_464 = tpu.memref_slice %arg6[%add3A_104, %dma_start3A_462, %dma_start3A_463] : memref<40x2x128xi32, #tpu.memory_space<hbm>> -> memref<1x2x128xi32, #tpu.memory_space<hbm>>
        %dma_start3A_465 = tpu.memref_squeeze %dma_start3A_464 : memref<1x2x128xi32, #tpu.memory_space<hbm>> -> memref<2x128xi32, #tpu.memory_space<hbm>>
        tpu.enqueue_dma source(%dma_start3A_465 : memref<2x128xi32, #tpu.memory_space<hbm>>) target(%arg17 : memref<2x128xi32, #tpu.memory_space<vmem>>) target_semaphore(%run_scoped3A_457 : memref<!tpu.dma_semaphore, #tpu.memory_space<semaphore_mem>>)
        %dma_wait3A_466 = arith.constant 0 : i32
        %dma_wait3A_467 = arith.constant 0 : i32
        %dma_wait3A_468 = tpu.memref_slice %arg6[%add3A_104, %dma_wait3A_466, %dma_wait3A_467] : memref<40x2x128xi32, #tpu.memory_space<hbm>> -> memref<1x2x128xi32, #tpu.memory_space<hbm>>
        %dma_wait3A_469 = tpu.memref_squeeze %dma_wait3A_468 : memref<1x2x128xi32, #tpu.memory_space<hbm>> -> memref<2x128xi32, #tpu.memory_space<hbm>>
        %dma_wait3A_470 = arith.constant 0 : i32
        %dma_wait3A_471 = arith.constant 0 : i32
        %dma_wait3A_472 = tpu.memref_slice %arg6[%add3A_104, %dma_wait3A_470, %dma_wait3A_471] : memref<40x2x128xi32, #tpu.memory_space<hbm>> -> memref<1x2x128xi32, #tpu.memory_space<hbm>>
        %dma_wait3A_473 = tpu.memref_squeeze %dma_wait3A_472 : memref<1x2x128xi32, #tpu.memory_space<hbm>> -> memref<2x128xi32, #tpu.memory_space<hbm>>
        tpu.wait_dma2 semaphore(%run_scoped3A_457 : memref<!tpu.dma_semaphore, #tpu.memory_space<semaphore_mem>>) src(%dma_wait3A_473 : memref<2x128xi32, #tpu.memory_space<hbm>>) dst(%arg17 : memref<2x128xi32, #tpu.memory_space<vmem>>)
        tpu.yield
      }) : () -> ()
      %get3A = arith.constant 0 : i32
      %get3A_107 = arith.index_cast %get3A : i32 to index
      %get3A_108 = arith.constant 0 : index
      %get3A_109 = tpu.vector_load %arg16[%get3A_107, %get3A_108] {strides = array<i32>} : memref<2x128xi32, #tpu.memory_space<vmem>>, vector<1x16xi32>,
      %get3A_110 = vector.shape_cast %get3A_109 : vector<1x16xi32> to vector<16xi32>
      %get3A_111 = arith.constant 0 : i32
      %get3A_112 = arith.index_cast %get3A_111 : i32 to index
      %get3A_113 = arith.constant 0 : index
      %get3A_114 = tpu.vector_load %arg17[%get3A_112, %get3A_113] {strides = array<i32>} : memref<2x128xi32, #tpu.memory_space<vmem>>, vector<1x16xi32>,
      %get3A_115 = vector.shape_cast %get3A_114 : vector<1x16xi32> to vector<16xi32>
      %ne3A_116 = arith.constant 0 : i32
      %ne3A_117 = vector.broadcast %ne3A_116 : i32 to vector<16xi32>
      %ne3A_118 = arith.cmpi ne, %get3A_115, %ne3A_117 : vector<16xi32>
      %jit3A_119 = arith.constant 64 : i32
      %broadcast_in_dim3A = vector.broadcast %jit3A_119 : i32 to vector<16xi32>
      %select_n3A_120 = arith.select %ne3A_118, %get3A_110, %broadcast_in_dim3A : vector<16xi1>, vector<16xi32>
      %swap3A = arith.constant 0 : i32
      %swap3A_121 = arith.index_cast %swap3A : i32 to index
      %swap3A_122 = arith.constant 0 : index
      %swap3A_123 = tpu.vector_load %arg13[%swap3A_121, %swap3A_122] {strides = array<i32>} : memref<2x128xi32, #tpu.memory_space<vmem>>, vector<1x16xi32>,
      %swap3A_124 = vector.shape_cast %swap3A_123 : vector<1x16xi32> to vector<16xi32>
      %swap3A_125 = vector.shape_cast %select_n3A_120 : vector<16xi32> to vector<1x16xi32>
      tpu.vector_store %arg13[%swap3A_121, %swap3A_122], %swap3A_125 {strides = array<i32>} : memref<2x128xi32, #tpu.memory_space<vmem>>, vector<1x16xi32>,
      %get3A_126 = arith.constant 0 : i32
      %get3A_127 = arith.index_cast %get3A_126 : i32 to index
      %get3A_128 = arith.constant 16 : index
      %get3A_129 = tpu.vector_load %arg16[%get3A_127, %get3A_128] {strides = array<i32>} : memref<2x128xi32, #tpu.memory_space<vmem>>, vector<1x16xi32>,
      %get3A_130 = vector.shape_cast %get3A_129 : vector<1x16xi32> to vector<16xi32>
      %get3A_131 = arith.constant 0 : i32
      %get3A_132 = arith.index_cast %get3A_131 : i32 to index
      %get3A_133 = arith.constant 16 : index
      %get3A_134 = tpu.vector_load %arg17[%get3A_132, %get3A_133] {strides = array<i32>} : memref<2x128xi32, #tpu.memory_space<vmem>>, vector<1x16xi32>,
      %get3A_135 = vector.shape_cast %get3A_134 : vector<1x16xi32> to vector<16xi32>
      %ne3A_136 = arith.constant 0 : i32
      %ne3A_137 = vector.broadcast %ne3A_136 : i32 to vector<16xi32>
      %ne3A_138 = arith.cmpi ne, %get3A_135, %ne3A_137 : vector<16xi32>
      %jit3A_139 = arith.constant 64 : i32
      %broadcast_in_dim3A_140 = vector.broadcast %jit3A_139 : i32 to vector<16xi32>
      %select_n3A_141 = arith.select %ne3A_138, %get3A_130, %broadcast_in_dim3A_140 : vector<16xi1>, vector<16xi32>
      %swap3A_142 = arith.constant 0 : i32
      %swap3A_143 = arith.index_cast %swap3A_142 : i32 to index
      %swap3A_144 = arith.constant 16 : index
      %swap3A_145 = tpu.vector_load %arg13[%swap3A_143, %swap3A_144] {strides = array<i32>} : memref<2x128xi32, #tpu.memory_space<vmem>>, vector<1x16xi32>,
      %swap3A_146 = vector.shape_cast %swap3A_145 : vector<1x16xi32> to vector<16xi32>
      %swap3A_147 = vector.shape_cast %select_n3A_141 : vector<16xi32> to vector<1x16xi32>
      tpu.vector_store %arg13[%swap3A_143, %swap3A_144], %swap3A_147 {strides = array<i32>} : memref<2x128xi32, #tpu.memory_space<vmem>>, vector<1x16xi32>,
      %get3A_148 = arith.constant 0 : i32
      %get3A_149 = arith.index_cast %get3A_148 : i32 to index
      %get3A_150 = arith.constant 32 : index
      %get3A_151 = tpu.vector_load %arg16[%get3A_149, %get3A_150] {strides = array<i32>} : memref<2x128xi32, #tpu.memory_space<vmem>>, vector<1x16xi32>,
      %get3A_152 = vector.shape_cast %get3A_151 : vector<1x16xi32> to vector<16xi32>
      %get3A_153 = arith.constant 0 : i32
      %get3A_154 = arith.index_cast %get3A_153 : i32 to index
      %get3A_155 = arith.constant 32 : index
      %get3A_156 = tpu.vector_load %arg17[%get3A_154, %get3A_155] {strides = array<i32>} : memref<2x128xi32, #tpu.memory_space<vmem>>, vector<1x16xi32>,
      %get3A_157 = vector.shape_cast %get3A_156 : vector<1x16xi32> to vector<16xi32>
      %ne3A_158 = arith.constant 0 : i32
      %ne3A_159 = vector.broadcast %ne3A_158 : i32 to vector<16xi32>
      %ne3A_160 = arith.cmpi ne, %get3A_157, %ne3A_159 : vector<16xi32>
      %jit3A_161 = arith.constant 64 : i32
      %broadcast_in_dim3A_162 = vector.broadcast %jit3A_161 : i32 to vector<16xi32>
      %select_n3A_163 = arith.select %ne3A_160, %get3A_152, %broadcast_in_dim3A_162 : vector<16xi1>, vector<16xi32>
      %swap3A_164 = arith.constant 0 : i32
      %swap3A_165 = arith.index_cast %swap3A_164 : i32 to index
      %swap3A_166 = arith.constant 32 : index
      %swap3A_167 = tpu.vector_load %arg13[%swap3A_165, %swap3A_166] {strides = array<i32>} : memref<2x128xi32, #tpu.memory_space<vmem>>, vector<1x16xi32>,
      %swap3A_168 = vector.shape_cast %swap3A_167 : vector<1x16xi32> to vector<16xi32>
      %swap3A_169 = vector.shape_cast %select_n3A_163 : vector<16xi32> to vector<1x16xi32>
      tpu.vector_store %arg13[%swap3A_165, %swap3A_166], %swap3A_169 {strides = array<i32>} : memref<2x128xi32, #tpu.memory_space<vmem>>, vector<1x16xi32>,
      %get3A_170 = arith.constant 0 : i32
      %get3A_171 = arith.index_cast %get3A_170 : i32 to index
      %get3A_172 = arith.constant 48 : index
      %get3A_173 = tpu.vector_load %arg16[%get3A_171, %get3A_172] {strides = array<i32>} : memref<2x128xi32, #tpu.memory_space<vmem>>, vector<1x16xi32>,
      %get3A_174 = vector.shape_cast %get3A_173 : vector<1x16xi32> to vector<16xi32>
      %get3A_175 = arith.constant 0 : i32
      %get3A_176 = arith.index_cast %get3A_175 : i32 to index
      %get3A_177 = arith.constant 48 : index
      %get3A_178 = tpu.vector_load %arg17[%get3A_176, %get3A_177] {strides = array<i32>} : memref<2x128xi32, #tpu.memory_space<vmem>>, vector<1x16xi32>,
      %get3A_179 = vector.shape_cast %get3A_178 : vector<1x16xi32> to vector<16xi32>
      %ne3A_180 = arith.constant 0 : i32
      %ne3A_181 = vector.broadcast %ne3A_180 : i32 to vector<16xi32>
      %ne3A_182 = arith.cmpi ne, %get3A_179, %ne3A_181 : vector<16xi32>
      %jit3A_183 = arith.constant 64 : i32
      %broadcast_in_dim3A_184 = vector.broadcast %jit3A_183 : i32 to vector<16xi32>
      %select_n3A_185 = arith.select %ne3A_182, %get3A_174, %broadcast_in_dim3A_184 : vector<16xi1>, vector<16xi32>
      %swap3A_186 = arith.constant 0 : i32
      %swap3A_187 = arith.index_cast %swap3A_186 : i32 to index
      %swap3A_188 = arith.constant 48 : index
      %swap3A_189 = tpu.vector_load %arg13[%swap3A_187, %swap3A_188] {strides = array<i32>} : memref<2x128xi32, #tpu.memory_space<vmem>>, vector<1x16xi32>,
      %swap3A_190 = vector.shape_cast %swap3A_189 : vector<1x16xi32> to vector<16xi32>
      %swap3A_191 = vector.shape_cast %select_n3A_185 : vector<16xi32> to vector<1x16xi32>
      tpu.vector_store %arg13[%swap3A_187, %swap3A_188], %swap3A_191 {strides = array<i32>} : memref<2x128xi32, #tpu.memory_space<vmem>>, vector<1x16xi32>,
      %get3A_192 = arith.constant 0 : i32
      %get3A_193 = arith.index_cast %get3A_192 : i32 to index
      %get3A_194 = arith.constant 64 : index
      %get3A_195 = tpu.vector_load %arg16[%get3A_193, %get3A_194] {strides = array<i32>} : memref<2x128xi32, #tpu.memory_space<vmem>>, vector<1x16xi32>,
      %get3A_196 = vector.shape_cast %get3A_195 : vector<1x16xi32> to vector<16xi32>
      %get3A_197 = arith.constant 0 : i32
      %get3A_198 = arith.index_cast %get3A_197 : i32 to index
      %get3A_199 = arith.constant 64 : index
      %get3A_200 = tpu.vector_load %arg17[%get3A_198, %get3A_199] {strides = array<i32>} : memref<2x128xi32, #tpu.memory_space<vmem>>, vector<1x16xi32>,
      %get3A_201 = vector.shape_cast %get3A_200 : vector<1x16xi32> to vector<16xi32>
      %ne3A_202 = arith.constant 0 : i32
      %ne3A_203 = vector.broadcast %ne3A_202 : i32 to vector<16xi32>
      %ne3A_204 = arith.cmpi ne, %get3A_201, %ne3A_203 : vector<16xi32>
      %jit3A_205 = arith.constant 64 : i32
      %broadcast_in_dim3A_206 = vector.broadcast %jit3A_205 : i32 to vector<16xi32>
      %select_n3A_207 = arith.select %ne3A_204, %get3A_196, %broadcast_in_dim3A_206 : vector<16xi1>, vector<16xi32>
      %swap3A_208 = arith.constant 0 : i32
      %swap3A_209 = arith.index_cast %swap3A_208 : i32 to index
      %swap3A_210 = arith.constant 64 : index
      %swap3A_211 = tpu.vector_load %arg13[%swap3A_209, %swap3A_210] {strides = array<i32>} : memref<2x128xi32, #tpu.memory_space<vmem>>, vector<1x16xi32>,
      %swap3A_212 = vector.shape_cast %swap3A_211 : vector<1x16xi32> to vector<16xi32>
      %swap3A_213 = vector.shape_cast %select_n3A_207 : vector<16xi32> to vector<1x16xi32>
      tpu.vector_store %arg13[%swap3A_209, %swap3A_210], %swap3A_213 {strides = array<i32>} : memref<2x128xi32, #tpu.memory_space<vmem>>, vector<1x16xi32>,
      %get3A_214 = arith.constant 0 : i32
      %get3A_215 = arith.index_cast %get3A_214 : i32 to index
      %get3A_216 = arith.constant 80 : index
      %get3A_217 = tpu.vector_load %arg16[%get3A_215, %get3A_216] {strides = array<i32>} : memref<2x128xi32, #tpu.memory_space<vmem>>, vector<1x16xi32>,
      %get3A_218 = vector.shape_cast %get3A_217 : vector<1x16xi32> to vector<16xi32>
      %get3A_219 = arith.constant 0 : i32
      %get3A_220 = arith.index_cast %get3A_219 : i32 to index
      %get3A_221 = arith.constant 80 : index
      %get3A_222 = tpu.vector_load %arg17[%get3A_220, %get3A_221] {strides = array<i32>} : memref<2x128xi32, #tpu.memory_space<vmem>>, vector<1x16xi32>,
      %get3A_223 = vector.shape_cast %get3A_222 : vector<1x16xi32> to vector<16xi32>
      %ne3A_224 = arith.constant 0 : i32
      %ne3A_225 = vector.broadcast %ne3A_224 : i32 to vector<16xi32>
      %ne3A_226 = arith.cmpi ne, %get3A_223, %ne3A_225 : vector<16xi32>
      %jit3A_227 = arith.constant 64 : i32
      %broadcast_in_dim3A_228 = vector.broadcast %jit3A_227 : i32 to vector<16xi32>
      %select_n3A_229 = arith.select %ne3A_226, %get3A_218, %broadcast_in_dim3A_228 : vector<16xi1>, vector<16xi32>
      %swap3A_230 = arith.constant 0 : i32
      %swap3A_231 = arith.index_cast %swap3A_230 : i32 to index
      %swap3A_232 = arith.constant 80 : index
      %swap3A_233 = tpu.vector_load %arg13[%swap3A_231, %swap3A_232] {strides = array<i32>} : memref<2x128xi32, #tpu.memory_space<vmem>>, vector<1x16xi32>,
      %swap3A_234 = vector.shape_cast %swap3A_233 : vector<1x16xi32> to vector<16xi32>
      %swap3A_235 = vector.shape_cast %select_n3A_229 : vector<16xi32> to vector<1x16xi32>
      tpu.vector_store %arg13[%swap3A_231, %swap3A_232], %swap3A_235 {strides = array<i32>} : memref<2x128xi32, #tpu.memory_space<vmem>>, vector<1x16xi32>,
      %get3A_236 = arith.constant 0 : i32
      %get3A_237 = arith.index_cast %get3A_236 : i32 to index
      %get3A_238 = arith.constant 96 : index
      %get3A_239 = tpu.vector_load %arg16[%get3A_237, %get3A_238] {strides = array<i32>} : memref<2x128xi32, #tpu.memory_space<vmem>>, vector<1x16xi32>,
      %get3A_240 = vector.shape_cast %get3A_239 : vector<1x16xi32> to vector<16xi32>
      %get3A_241 = arith.constant 0 : i32
      %get3A_242 = arith.index_cast %get3A_241 : i32 to index
      %get3A_243 = arith.constant 96 : index
      %get3A_244 = tpu.vector_load %arg17[%get3A_242, %get3A_243] {strides = array<i32>} : memref<2x128xi32, #tpu.memory_space<vmem>>, vector<1x16xi32>,
      %get3A_245 = vector.shape_cast %get3A_244 : vector<1x16xi32> to vector<16xi32>
      %ne3A_246 = arith.constant 0 : i32
      %ne3A_247 = vector.broadcast %ne3A_246 : i32 to vector<16xi32>
      %ne3A_248 = arith.cmpi ne, %get3A_245, %ne3A_247 : vector<16xi32>
      %jit3A_249 = arith.constant 64 : i32
      %broadcast_in_dim3A_250 = vector.broadcast %jit3A_249 : i32 to vector<16xi32>
      %select_n3A_251 = arith.select %ne3A_248, %get3A_240, %broadcast_in_dim3A_250 : vector<16xi1>, vector<16xi32>
      %swap3A_252 = arith.constant 0 : i32
      %swap3A_253 = arith.index_cast %swap3A_252 : i32 to index
      %swap3A_254 = arith.constant 96 : index
      %swap3A_255 = tpu.vector_load %arg13[%swap3A_253, %swap3A_254] {strides = array<i32>} : memref<2x128xi32, #tpu.memory_space<vmem>>, vector<1x16xi32>,
      %swap3A_256 = vector.shape_cast %swap3A_255 : vector<1x16xi32> to vector<16xi32>
      %swap3A_257 = vector.shape_cast %select_n3A_251 : vector<16xi32> to vector<1x16xi32>
      tpu.vector_store %arg13[%swap3A_253, %swap3A_254], %swap3A_257 {strides = array<i32>} : memref<2x128xi32, #tpu.memory_space<vmem>>, vector<1x16xi32>,
      %get3A_258 = arith.constant 0 : i32
      %get3A_259 = arith.index_cast %get3A_258 : i32 to index
      %get3A_260 = arith.constant 112 : index
      %get3A_261 = tpu.vector_load %arg16[%get3A_259, %get3A_260] {strides = array<i32>} : memref<2x128xi32, #tpu.memory_space<vmem>>, vector<1x16xi32>,
      %get3A_262 = vector.shape_cast %get3A_261 : vector<1x16xi32> to vector<16xi32>
      %get3A_263 = arith.constant 0 : i32
      %get3A_264 = arith.index_cast %get3A_263 : i32 to index
      %get3A_265 = arith.constant 112 : index
      %get3A_266 = tpu.vector_load %arg17[%get3A_264, %get3A_265] {strides = array<i32>} : memref<2x128xi32, #tpu.memory_space<vmem>>, vector<1x16xi32>,
      %get3A_267 = vector.shape_cast %get3A_266 : vector<1x16xi32> to vector<16xi32>
      %ne3A_268 = arith.constant 0 : i32
      %ne3A_269 = vector.broadcast %ne3A_268 : i32 to vector<16xi32>
      %ne3A_270 = arith.cmpi ne, %get3A_267, %ne3A_269 : vector<16xi32>
      %jit3A_271 = arith.constant 64 : i32
      %broadcast_in_dim3A_272 = vector.broadcast %jit3A_271 : i32 to vector<16xi32>
      %select_n3A_273 = arith.select %ne3A_270, %get3A_262, %broadcast_in_dim3A_272 : vector<16xi1>, vector<16xi32>
      %swap3A_274 = arith.constant 0 : i32
      %swap3A_275 = arith.index_cast %swap3A_274 : i32 to index
      %swap3A_276 = arith.constant 112 : index
      %swap3A_277 = tpu.vector_load %arg13[%swap3A_275, %swap3A_276] {strides = array<i32>} : memref<2x128xi32, #tpu.memory_space<vmem>>, vector<1x16xi32>,
      %swap3A_278 = vector.shape_cast %swap3A_277 : vector<1x16xi32> to vector<16xi32>
      %swap3A_279 = vector.shape_cast %select_n3A_273 : vector<16xi32> to vector<1x16xi32>
      tpu.vector_store %arg13[%swap3A_275, %swap3A_276], %swap3A_279 {strides = array<i32>} : memref<2x128xi32, #tpu.memory_space<vmem>>, vector<1x16xi32>,
      %get3A_280 = arith.constant 1 : i32
      %get3A_281 = arith.index_cast %get3A_280 : i32 to index
      %get3A_282 = arith.constant 0 : index
      %get3A_283 = tpu.vector_load %arg16[%get3A_281, %get3A_282] {strides = array<i32>} : memref<2x128xi32, #tpu.memory_space<vmem>>, vector<1x16xi32>,
      %get3A_284 = vector.shape_cast %get3A_283 : vector<1x16xi32> to vector<16xi32>
      %get3A_285 = arith.constant 1 : i32
      %get3A_286 = arith.index_cast %get3A_285 : i32 to index
      %get3A_287 = arith.constant 0 : index
      %get3A_288 = tpu.vector_load %arg17[%get3A_286, %get3A_287] {strides = array<i32>} : memref<2x128xi32, #tpu.memory_space<vmem>>, vector<1x16xi32>,
      %get3A_289 = vector.shape_cast %get3A_288 : vector<1x16xi32> to vector<16xi32>
      %ne3A_290 = arith.constant 0 : i32
      %ne3A_291 = vector.broadcast %ne3A_290 : i32 to vector<16xi32>
      %ne3A_292 = arith.cmpi ne, %get3A_289, %ne3A_291 : vector<16xi32>
      %jit3A_293 = arith.constant 64 : i32
      %broadcast_in_dim3A_294 = vector.broadcast %jit3A_293 : i32 to vector<16xi32>
      %select_n3A_295 = arith.select %ne3A_292, %get3A_284, %broadcast_in_dim3A_294 : vector<16xi1>, vector<16xi32>
      %swap3A_296 = arith.constant 1 : i32
      %swap3A_297 = arith.index_cast %swap3A_296 : i32 to index
      %swap3A_298 = arith.constant 0 : index
      %swap3A_299 = tpu.vector_load %arg13[%swap3A_297, %swap3A_298] {strides = array<i32>} : memref<2x128xi32, #tpu.memory_space<vmem>>, vector<1x16xi32>,
      %swap3A_300 = vector.shape_cast %swap3A_299 : vector<1x16xi32> to vector<16xi32>
      %swap3A_301 = vector.shape_cast %select_n3A_295 : vector<16xi32> to vector<1x16xi32>
      tpu.vector_store %arg13[%swap3A_297, %swap3A_298], %swap3A_301 {strides = array<i32>} : memref<2x128xi32, #tpu.memory_space<vmem>>, vector<1x16xi32>,
      %get3A_302 = arith.constant 1 : i32
      %get3A_303 = arith.index_cast %get3A_302 : i32 to index
      %get3A_304 = arith.constant 16 : index
      %get3A_305 = tpu.vector_load %arg16[%get3A_303, %get3A_304] {strides = array<i32>} : memref<2x128xi32, #tpu.memory_space<vmem>>, vector<1x16xi32>,
      %get3A_306 = vector.shape_cast %get3A_305 : vector<1x16xi32> to vector<16xi32>
      %get3A_307 = arith.constant 1 : i32
      %get3A_308 = arith.index_cast %get3A_307 : i32 to index
      %get3A_309 = arith.constant 16 : index
      %get3A_310 = tpu.vector_load %arg17[%get3A_308, %get3A_309] {strides = array<i32>} : memref<2x128xi32, #tpu.memory_space<vmem>>, vector<1x16xi32>,
      %get3A_311 = vector.shape_cast %get3A_310 : vector<1x16xi32> to vector<16xi32>
      %ne3A_312 = arith.constant 0 : i32
      %ne3A_313 = vector.broadcast %ne3A_312 : i32 to vector<16xi32>
      %ne3A_314 = arith.cmpi ne, %get3A_311, %ne3A_313 : vector<16xi32>
      %jit3A_315 = arith.constant 64 : i32
      %broadcast_in_dim3A_316 = vector.broadcast %jit3A_315 : i32 to vector<16xi32>
      %select_n3A_317 = arith.select %ne3A_314, %get3A_306, %broadcast_in_dim3A_316 : vector<16xi1>, vector<16xi32>
      %swap3A_318 = arith.constant 1 : i32
      %swap3A_319 = arith.index_cast %swap3A_318 : i32 to index
      %swap3A_320 = arith.constant 16 : index
      %swap3A_321 = tpu.vector_load %arg13[%swap3A_319, %swap3A_320] {strides = array<i32>} : memref<2x128xi32, #tpu.memory_space<vmem>>, vector<1x16xi32>,
      %swap3A_322 = vector.shape_cast %swap3A_321 : vector<1x16xi32> to vector<16xi32>
      %swap3A_323 = vector.shape_cast %select_n3A_317 : vector<16xi32> to vector<1x16xi32>
      tpu.vector_store %arg13[%swap3A_319, %swap3A_320], %swap3A_323 {strides = array<i32>} : memref<2x128xi32, #tpu.memory_space<vmem>>, vector<1x16xi32>,
      %get3A_324 = arith.constant 1 : i32
      %get3A_325 = arith.index_cast %get3A_324 : i32 to index
      %get3A_326 = arith.constant 32 : index
      %get3A_327 = tpu.vector_load %arg16[%get3A_325, %get3A_326] {strides = array<i32>} : memref<2x128xi32, #tpu.memory_space<vmem>>, vector<1x16xi32>,
      %get3A_328 = vector.shape_cast %get3A_327 : vector<1x16xi32> to vector<16xi32>
      %get3A_329 = arith.constant 1 : i32
      %get3A_330 = arith.index_cast %get3A_329 : i32 to index
      %get3A_331 = arith.constant 32 : index
      %get3A_332 = tpu.vector_load %arg17[%get3A_330, %get3A_331] {strides = array<i32>} : memref<2x128xi32, #tpu.memory_space<vmem>>, vector<1x16xi32>,
      %get3A_333 = vector.shape_cast %get3A_332 : vector<1x16xi32> to vector<16xi32>
      %ne3A_334 = arith.constant 0 : i32
      %ne3A_335 = vector.broadcast %ne3A_334 : i32 to vector<16xi32>
      %ne3A_336 = arith.cmpi ne, %get3A_333, %ne3A_335 : vector<16xi32>
      %jit3A_337 = arith.constant 64 : i32
      %broadcast_in_dim3A_338 = vector.broadcast %jit3A_337 : i32 to vector<16xi32>
      %select_n3A_339 = arith.select %ne3A_336, %get3A_328, %broadcast_in_dim3A_338 : vector<16xi1>, vector<16xi32>
      %swap3A_340 = arith.constant 1 : i32
      %swap3A_341 = arith.index_cast %swap3A_340 : i32 to index
      %swap3A_342 = arith.constant 32 : index
      %swap3A_343 = tpu.vector_load %arg13[%swap3A_341, %swap3A_342] {strides = array<i32>} : memref<2x128xi32, #tpu.memory_space<vmem>>, vector<1x16xi32>,
      %swap3A_344 = vector.shape_cast %swap3A_343 : vector<1x16xi32> to vector<16xi32>
      %swap3A_345 = vector.shape_cast %select_n3A_339 : vector<16xi32> to vector<1x16xi32>
      tpu.vector_store %arg13[%swap3A_341, %swap3A_342], %swap3A_345 {strides = array<i32>} : memref<2x128xi32, #tpu.memory_space<vmem>>, vector<1x16xi32>,
      %get3A_346 = arith.constant 1 : i32
      %get3A_347 = arith.index_cast %get3A_346 : i32 to index
      %get3A_348 = arith.constant 48 : index
      %get3A_349 = tpu.vector_load %arg16[%get3A_347, %get3A_348] {strides = array<i32>} : memref<2x128xi32, #tpu.memory_space<vmem>>, vector<1x16xi32>,
      %get3A_350 = vector.shape_cast %get3A_349 : vector<1x16xi32> to vector<16xi32>
      %get3A_351 = arith.constant 1 : i32
      %get3A_352 = arith.index_cast %get3A_351 : i32 to index
      %get3A_353 = arith.constant 48 : index
      %get3A_354 = tpu.vector_load %arg17[%get3A_352, %get3A_353] {strides = array<i32>} : memref<2x128xi32, #tpu.memory_space<vmem>>, vector<1x16xi32>,
      %get3A_355 = vector.shape_cast %get3A_354 : vector<1x16xi32> to vector<16xi32>
      %ne3A_356 = arith.constant 0 : i32
      %ne3A_357 = vector.broadcast %ne3A_356 : i32 to vector<16xi32>
      %ne3A_358 = arith.cmpi ne, %get3A_355, %ne3A_357 : vector<16xi32>
      %jit3A_359 = arith.constant 64 : i32
      %broadcast_in_dim3A_360 = vector.broadcast %jit3A_359 : i32 to vector<16xi32>
      %select_n3A_361 = arith.select %ne3A_358, %get3A_350, %broadcast_in_dim3A_360 : vector<16xi1>, vector<16xi32>
      %swap3A_362 = arith.constant 1 : i32
      %swap3A_363 = arith.index_cast %swap3A_362 : i32 to index
      %swap3A_364 = arith.constant 48 : index
      %swap3A_365 = tpu.vector_load %arg13[%swap3A_363, %swap3A_364] {strides = array<i32>} : memref<2x128xi32, #tpu.memory_space<vmem>>, vector<1x16xi32>,
      %swap3A_366 = vector.shape_cast %swap3A_365 : vector<1x16xi32> to vector<16xi32>
      %swap3A_367 = vector.shape_cast %select_n3A_361 : vector<16xi32> to vector<1x16xi32>
      tpu.vector_store %arg13[%swap3A_363, %swap3A_364], %swap3A_367 {strides = array<i32>} : memref<2x128xi32, #tpu.memory_space<vmem>>, vector<1x16xi32>,
      %get3A_368 = arith.constant 1 : i32
      %get3A_369 = arith.index_cast %get3A_368 : i32 to index
      %get3A_370 = arith.constant 64 : index
      %get3A_371 = tpu.vector_load %arg16[%get3A_369, %get3A_370] {strides = array<i32>} : memref<2x128xi32, #tpu.memory_space<vmem>>, vector<1x16xi32>,
      %get3A_372 = vector.shape_cast %get3A_371 : vector<1x16xi32> to vector<16xi32>
      %get3A_373 = arith.constant 1 : i32
      %get3A_374 = arith.index_cast %get3A_373 : i32 to index
      %get3A_375 = arith.constant 64 : index
      %get3A_376 = tpu.vector_load %arg17[%get3A_374, %get3A_375] {strides = array<i32>} : memref<2x128xi32, #tpu.memory_space<vmem>>, vector<1x16xi32>,
      %get3A_377 = vector.shape_cast %get3A_376 : vector<1x16xi32> to vector<16xi32>
      %ne3A_378 = arith.constant 0 : i32
      %ne3A_379 = vector.broadcast %ne3A_378 : i32 to vector<16xi32>
      %ne3A_380 = arith.cmpi ne, %get3A_377, %ne3A_379 : vector<16xi32>
      %jit3A_381 = arith.constant 64 : i32
      %broadcast_in_dim3A_382 = vector.broadcast %jit3A_381 : i32 to vector<16xi32>
      %select_n3A_383 = arith.select %ne3A_380, %get3A_372, %broadcast_in_dim3A_382 : vector<16xi1>, vector<16xi32>
      %swap3A_384 = arith.constant 1 : i32
      %swap3A_385 = arith.index_cast %swap3A_384 : i32 to index
      %swap3A_386 = arith.constant 64 : index
      %swap3A_387 = tpu.vector_load %arg13[%swap3A_385, %swap3A_386] {strides = array<i32>} : memref<2x128xi32, #tpu.memory_space<vmem>>, vector<1x16xi32>,
      %swap3A_388 = vector.shape_cast %swap3A_387 : vector<1x16xi32> to vector<16xi32>
      %swap3A_389 = vector.shape_cast %select_n3A_383 : vector<16xi32> to vector<1x16xi32>
      tpu.vector_store %arg13[%swap3A_385, %swap3A_386], %swap3A_389 {strides = array<i32>} : memref<2x128xi32, #tpu.memory_space<vmem>>, vector<1x16xi32>,
      %get3A_390 = arith.constant 1 : i32
      %get3A_391 = arith.index_cast %get3A_390 : i32 to index
      %get3A_392 = arith.constant 80 : index
      %get3A_393 = tpu.vector_load %arg16[%get3A_391, %get3A_392] {strides = array<i32>} : memref<2x128xi32, #tpu.memory_space<vmem>>, vector<1x16xi32>,
      %get3A_394 = vector.shape_cast %get3A_393 : vector<1x16xi32> to vector<16xi32>
      %get3A_395 = arith.constant 1 : i32
      %get3A_396 = arith.index_cast %get3A_395 : i32 to index
      %get3A_397 = arith.constant 80 : index
      %get3A_398 = tpu.vector_load %arg17[%get3A_396, %get3A_397] {strides = array<i32>} : memref<2x128xi32, #tpu.memory_space<vmem>>, vector<1x16xi32>,
      %get3A_399 = vector.shape_cast %get3A_398 : vector<1x16xi32> to vector<16xi32>
      %ne3A_400 = arith.constant 0 : i32
      %ne3A_401 = vector.broadcast %ne3A_400 : i32 to vector<16xi32>
      %ne3A_402 = arith.cmpi ne, %get3A_399, %ne3A_401 : vector<16xi32>
      %jit3A_403 = arith.constant 64 : i32
      %broadcast_in_dim3A_404 = vector.broadcast %jit3A_403 : i32 to vector<16xi32>
      %select_n3A_405 = arith.select %ne3A_402, %get3A_394, %broadcast_in_dim3A_404 : vector<16xi1>, vector<16xi32>
      %swap3A_406 = arith.constant 1 : i32
      %swap3A_407 = arith.index_cast %swap3A_406 : i32 to index
      %swap3A_408 = arith.constant 80 : index
      %swap3A_409 = tpu.vector_load %arg13[%swap3A_407, %swap3A_408] {strides = array<i32>} : memref<2x128xi32, #tpu.memory_space<vmem>>, vector<1x16xi32>,
      %swap3A_410 = vector.shape_cast %swap3A_409 : vector<1x16xi32> to vector<16xi32>
      %swap3A_411 = vector.shape_cast %select_n3A_405 : vector<16xi32> to vector<1x16xi32>
      tpu.vector_store %arg13[%swap3A_407, %swap3A_408], %swap3A_411 {strides = array<i32>} : memref<2x128xi32, #tpu.memory_space<vmem>>, vector<1x16xi32>,
      %get3A_412 = arith.constant 1 : i32
      %get3A_413 = arith.index_cast %get3A_412 : i32 to index
      %get3A_414 = arith.constant 96 : index
      %get3A_415 = tpu.vector_load %arg16[%get3A_413, %get3A_414] {strides = array<i32>} : memref<2x128xi32, #tpu.memory_space<vmem>>, vector<1x16xi32>,
      %get3A_416 = vector.shape_cast %get3A_415 : vector<1x16xi32> to vector<16xi32>
      %get3A_417 = arith.constant 1 : i32
      %get3A_418 = arith.index_cast %get3A_417 : i32 to index
      %get3A_419 = arith.constant 96 : index
      %get3A_420 = tpu.vector_load %arg17[%get3A_418, %get3A_419] {strides = array<i32>} : memref<2x128xi32, #tpu.memory_space<vmem>>, vector<1x16xi32>,
      %get3A_421 = vector.shape_cast %get3A_420 : vector<1x16xi32> to vector<16xi32>
      %ne3A_422 = arith.constant 0 : i32
      %ne3A_423 = vector.broadcast %ne3A_422 : i32 to vector<16xi32>
      %ne3A_424 = arith.cmpi ne, %get3A_421, %ne3A_423 : vector<16xi32>
      %jit3A_425 = arith.constant 64 : i32
      %broadcast_in_dim3A_426 = vector.broadcast %jit3A_425 : i32 to vector<16xi32>
      %select_n3A_427 = arith.select %ne3A_424, %get3A_416, %broadcast_in_dim3A_426 : vector<16xi1>, vector<16xi32>
      %swap3A_428 = arith.constant 1 : i32
      %swap3A_429 = arith.index_cast %swap3A_428 : i32 to index
      %swap3A_430 = arith.constant 96 : index
      %swap3A_431 = tpu.vector_load %arg13[%swap3A_429, %swap3A_430] {strides = array<i32>} : memref<2x128xi32, #tpu.memory_space<vmem>>, vector<1x16xi32>,
      %swap3A_432 = vector.shape_cast %swap3A_431 : vector<1x16xi32> to vector<16xi32>
      %swap3A_433 = vector.shape_cast %select_n3A_427 : vector<16xi32> to vector<1x16xi32>
      tpu.vector_store %arg13[%swap3A_429, %swap3A_430], %swap3A_433 {strides = array<i32>} : memref<2x128xi32, #tpu.memory_space<vmem>>, vector<1x16xi32>,
      %get3A_434 = arith.constant 1 : i32
      %get3A_435 = arith.index_cast %get3A_434 : i32 to index
      %get3A_436 = arith.constant 112 : index
      %get3A_437 = tpu.vector_load %arg16[%get3A_435, %get3A_436] {strides = array<i32>} : memref<2x128xi32, #tpu.memory_space<vmem>>, vector<1x16xi32>,
      %get3A_438 = vector.shape_cast %get3A_437 : vector<1x16xi32> to vector<16xi32>
      %get3A_439 = arith.constant 1 : i32
      %get3A_440 = arith.index_cast %get3A_439 : i32 to index
      %get3A_441 = arith.constant 112 : index
      %get3A_442 = tpu.vector_load %arg17[%get3A_440, %get3A_441] {strides = array<i32>} : memref<2x128xi32, #tpu.memory_space<vmem>>, vector<1x16xi32>,
      %get3A_443 = vector.shape_cast %get3A_442 : vector<1x16xi32> to vector<16xi32>
      %ne3A_444 = arith.constant 0 : i32
      %ne3A_445 = vector.broadcast %ne3A_444 : i32 to vector<16xi32>
      %ne3A_446 = arith.cmpi ne, %get3A_443, %ne3A_445 : vector<16xi32>
      %jit3A_447 = arith.constant 64 : i32
      %broadcast_in_dim3A_448 = vector.broadcast %jit3A_447 : i32 to vector<16xi32>
      %select_n3A_449 = arith.select %ne3A_446, %get3A_438, %broadcast_in_dim3A_448 : vector<16xi1>, vector<16xi32>
      %swap3A_450 = arith.constant 1 : i32
      %swap3A_451 = arith.index_cast %swap3A_450 : i32 to index
      %swap3A_452 = arith.constant 112 : index
      %swap3A_453 = tpu.vector_load %arg13[%swap3A_451, %swap3A_452] {strides = array<i32>} : memref<2x128xi32, #tpu.memory_space<vmem>>, vector<1x16xi32>,
      %swap3A_454 = vector.shape_cast %swap3A_453 : vector<1x16xi32> to vector<16xi32>
      %swap3A_455 = vector.shape_cast %select_n3A_449 : vector<16xi32> to vector<1x16xi32>
      tpu.vector_store %arg13[%swap3A_451, %swap3A_452], %swap3A_455 {strides = array<i32>} : memref<2x128xi32, #tpu.memory_space<vmem>>, vector<1x16xi32>,
      %run_scoped3A = arith.constant 0 : i32
      "tpu.region"() ({
        %run_scoped3A_457 = tpu.sem_alloc : memref<!tpu.dma_semaphore, #tpu.memory_space<semaphore_mem>>
        %dma_start3A_458 = arith.constant 0 : i32
        %dma_start3A_459 = arith.constant 0 : i32
        %dma_start3A_460 = tpu.memref_slice %arg10[%dma_start3A_458, %dma_start3A_459] : memref<256x128xf32, #tpu.memory_space<vmem>> -> memref<128x128xf32, #tpu.memory_space<vmem>>
        %dma_start3A_461 = arith.constant 0 : i32
        %dma_start3A_462 = tpu.memref_slice %arg13[%run_scoped3A, %dma_start3A_461] : memref<2x128xi32, #tpu.memory_space<vmem>> -> memref<1x128xi32, #tpu.memory_space<vmem>>
        %dma_start3A_463 = tpu.memref_squeeze %dma_start3A_462 : memref<1x128xi32, #tpu.memory_space<vmem>> -> memref<128xi32, #tpu.memory_space<vmem>>
        %dma_start3A_464 = arith.constant 0 : i32
        %dma_start3A_465 = arith.constant 0 : i32
        %dma_start3A_466 = tpu.memref_slice %arg19[%dma_start3A_464, %dma_start3A_465] : memref<65x128xf32, #tpu.memory_space<vmem_shared>> -> memref<65x128xf32, #tpu.memory_space<vmem_shared>>
        tpu.enqueue_indirect_dma source(%dma_start3A_460 : memref<128x128xf32, #tpu.memory_space<vmem>>) target(%dma_start3A_466 : memref<65x128xf32, #tpu.memory_space<vmem_shared>>) offsets(%dma_start3A_463 : memref<128xi32, #tpu.memory_space<vmem>>) semaphore(%run_scoped3A_457 : memref<!tpu.dma_semaphore, #tpu.memory_space<semaphore_mem>>) {add = true}
        %dma_wait3A_467 = arith.constant 0 : i32
        %dma_wait3A_468 = arith.constant 0 : i32
        %dma_wait3A_469 = tpu.memref_slice %arg10[%dma_wait3A_467, %dma_wait3A_468] : memref<256x128xf32, #tpu.memory_space<vmem>> -> memref<128x128xf32, #tpu.memory_space<vmem>>
        %dma_wait3A_470 = arith.constant 0 : i32
        %dma_wait3A_471 = tpu.memref_slice %arg13[%run_scoped3A, %dma_wait3A_470] : memref<2x128xi32, #tpu.memory_space<vmem>> -> memref<1x128xi32, #tpu.memory_space<vmem>>
        %dma_wait3A_472 = tpu.memref_squeeze %dma_wait3A_471 : memref<1x128xi32, #tpu.memory_space<vmem>> -> memref<128xi32, #tpu.memory_space<vmem>>
        %dma_wait3A_473 = arith.constant 0 : i32
        %dma_wait3A_474 = arith.constant 0 : i32
        %dma_wait3A_475 = tpu.memref_slice %arg19[%dma_wait3A_473, %dma_wait3A_474] : memref<65x128xf32, #tpu.memory_space<vmem_shared>> -> memref<65x128xf32, #tpu.memory_space<vmem_shared>>
        tpu.wait_indirect_dma semaphore(%run_scoped3A_457 : memref<!tpu.dma_semaphore, #tpu.memory_space<semaphore_mem>>) src(%dma_wait3A_469 : memref<128x128xf32, #tpu.memory_space<vmem>>) dst(%dma_wait3A_475 : memref<65x128xf32, #tpu.memory_space<vmem_shared>>)
        tpu.yield
      }) : () -> ()
      %run_scoped3A_456 = arith.constant 1 : i32
      "tpu.region"() ({
        %run_scoped3A_457 = tpu.sem_alloc : memref<!tpu.dma_semaphore, #tpu.memory_space<semaphore_mem>>
        %dma_start3A_458 = arith.constant 128 : i32
        %dma_start3A_459 = arith.constant 0 : i32
        %dma_start3A_460 = tpu.memref_slice %arg10[%dma_start3A_458, %dma_start3A_459] : memref<256x128xf32, #tpu.memory_space<vmem>> -> memref<128x128xf32, #tpu.memory_space<vmem>>
        %dma_start3A_461 = arith.constant 0 : i32
        %dma_start3A_462 = tpu.memref_slice %arg13[%run_scoped3A_456, %dma_start3A_461] : memref<2x128xi32, #tpu.memory_space<vmem>> -> memref<1x128xi32, #tpu.memory_space<vmem>>
        %dma_start3A_463 = tpu.memref_squeeze %dma_start3A_462 : memref<1x128xi32, #tpu.memory_space<vmem>> -> memref<128xi32, #tpu.memory_space<vmem>>
        %dma_start3A_464 = arith.constant 0 : i32
        %dma_start3A_465 = arith.constant 0 : i32
        %dma_start3A_466 = tpu.memref_slice %arg19[%dma_start3A_464, %dma_start3A_465] : memref<65x128xf32, #tpu.memory_space<vmem_shared>> -> memref<65x128xf32, #tpu.memory_space<vmem_shared>>
        tpu.enqueue_indirect_dma source(%dma_start3A_460 : memref<128x128xf32, #tpu.memory_space<vmem>>) target(%dma_start3A_466 : memref<65x128xf32, #tpu.memory_space<vmem_shared>>) offsets(%dma_start3A_463 : memref<128xi32, #tpu.memory_space<vmem>>) semaphore(%run_scoped3A_457 : memref<!tpu.dma_semaphore, #tpu.memory_space<semaphore_mem>>) {add = true}
        %dma_wait3A_467 = arith.constant 128 : i32
        %dma_wait3A_468 = arith.constant 0 : i32
        %dma_wait3A_469 = tpu.memref_slice %arg10[%dma_wait3A_467, %dma_wait3A_468] : memref<256x128xf32, #tpu.memory_space<vmem>> -> memref<128x128xf32, #tpu.memory_space<vmem>>
        %dma_wait3A_470 = arith.constant 0 : i32
        %dma_wait3A_471 = tpu.memref_slice %arg13[%run_scoped3A_456, %dma_wait3A_470] : memref<2x128xi32, #tpu.memory_space<vmem>> -> memref<1x128xi32, #tpu.memory_space<vmem>>
        %dma_wait3A_472 = tpu.memref_squeeze %dma_wait3A_471 : memref<1x128xi32, #tpu.memory_space<vmem>> -> memref<128xi32, #tpu.memory_space<vmem>>
        %dma_wait3A_473 = arith.constant 0 : i32
        %dma_wait3A_474 = arith.constant 0 : i32
        %dma_wait3A_475 = tpu.memref_slice %arg19[%dma_wait3A_473, %dma_wait3A_474] : memref<65x128xf32, #tpu.memory_space<vmem_shared>> -> memref<65x128xf32, #tpu.memory_space<vmem_shared>>
        tpu.wait_indirect_dma semaphore(%run_scoped3A_457 : memref<!tpu.dma_semaphore, #tpu.memory_space<semaphore_mem>>) src(%dma_wait3A_469 : memref<128x128xf32, #tpu.memory_space<vmem>>) dst(%dma_wait3A_475 : memref<65x128xf32, #tpu.memory_space<vmem_shared>>)
        tpu.yield
      }) : () -> ()
    }
    %while3A_94 = arith.constant 1 : i32
    scf.for %while3A_101 = %while3A_92 to %while3A_88 step %while3A_94  : i32 {
      %mul3A_102 = arith.constant 32 : i32
      %mul3A_103 = arith.muli %while3A_101, %mul3A_102 : i32
      %add3A_104 = arith.addi %add3A, %mul3A_103 : i32
      %mul3A_105 = arith.constant 256 : i32
      %mul3A_106 = arith.muli %add3A_104, %mul3A_105 : i32
      "tpu.region"() ({
        %run_scoped3A_457 = tpu.sem_alloc : memref<!tpu.dma_semaphore, #tpu.memory_space<semaphore_mem>>
        %dma_start3A_458 = arith.constant 0 : i32
        %dma_start3A_459 = tpu.memref_slice %arg4[%mul3A_106, %dma_start3A_458] : memref<10240x128xf32, #tpu.memory_space<hbm>> -> memref<256x128xf32, #tpu.memory_space<hbm>>
        %dma_start3A_460 = arith.constant 0 : i32
        %dma_start3A_461 = tpu.memref_slice %arg4[%mul3A_106, %dma_start3A_460] : memref<10240x128xf32, #tpu.memory_space<hbm>> -> memref<256x128xf32, #tpu.memory_space<hbm>>
        tpu.enqueue_dma source(%dma_start3A_461 : memref<256x128xf32, #tpu.memory_space<hbm>>) target(%arg10 : memref<256x128xf32, #tpu.memory_space<vmem>>) target_semaphore(%run_scoped3A_457 : memref<!tpu.dma_semaphore, #tpu.memory_space<semaphore_mem>>)
        %dma_wait3A_462 = arith.constant 0 : i32
        %dma_wait3A_463 = tpu.memref_slice %arg4[%mul3A_106, %dma_wait3A_462] : memref<10240x128xf32, #tpu.memory_space<hbm>> -> memref<256x128xf32, #tpu.memory_space<hbm>>
        %dma_wait3A_464 = arith.constant 0 : i32
        %dma_wait3A_465 = tpu.memref_slice %arg4[%mul3A_106, %dma_wait3A_464] : memref<10240x128xf32, #tpu.memory_space<hbm>> -> memref<256x128xf32, #tpu.memory_space<hbm>>
        tpu.wait_dma2 semaphore(%run_scoped3A_457 : memref<!tpu.dma_semaphore, #tpu.memory_space<semaphore_mem>>) src(%dma_wait3A_465 : memref<256x128xf32, #tpu.memory_space<hbm>>) dst(%arg10 : memref<256x128xf32, #tpu.memory_space<vmem>>)
        tpu.yield
      }) : () -> ()
      "tpu.region"() ({
        %run_scoped3A_457 = tpu.sem_alloc : memref<!tpu.dma_semaphore, #tpu.memory_space<semaphore_mem>>
        %dma_start3A_458 = arith.constant 0 : i32
        %dma_start3A_459 = arith.constant 0 : i32
        %dma_start3A_460 = tpu.memref_slice %arg5[%add3A_104, %dma_start3A_458, %dma_start3A_459] : memref<40x2x128xi32, #tpu.memory_space<hbm>> -> memref<1x2x128xi32, #tpu.memory_space<hbm>>
        %dma_start3A_461 = tpu.memref_squeeze %dma_start3A_460 : memref<1x2x128xi32, #tpu.memory_space<hbm>> -> memref<2x128xi32, #tpu.memory_space<hbm>>
        %dma_start3A_462 = arith.constant 0 : i32
        %dma_start3A_463 = arith.constant 0 : i32
        %dma_start3A_464 = tpu.memref_slice %arg5[%add3A_104, %dma_start3A_462, %dma_start3A_463] : memref<40x2x128xi32, #tpu.memory_space<hbm>> -> memref<1x2x128xi32, #tpu.memory_space<hbm>>
        %dma_start3A_465 = tpu.memref_squeeze %dma_start3A_464 : memref<1x2x128xi32, #tpu.memory_space<hbm>> -> memref<2x128xi32, #tpu.memory_space<hbm>>
        tpu.enqueue_dma source(%dma_start3A_465 : memref<2x128xi32, #tpu.memory_space<hbm>>) target(%arg16 : memref<2x128xi32, #tpu.memory_space<vmem>>) target_semaphore(%run_scoped3A_457 : memref<!tpu.dma_semaphore, #tpu.memory_space<semaphore_mem>>)
        %dma_wait3A_466 = arith.constant 0 : i32
        %dma_wait3A_467 = arith.constant 0 : i32
        %dma_wait3A_468 = tpu.memref_slice %arg5[%add3A_104, %dma_wait3A_466, %dma_wait3A_467] : memref<40x2x128xi32, #tpu.memory_space<hbm>> -> memref<1x2x128xi32, #tpu.memory_space<hbm>>
        %dma_wait3A_469 = tpu.memref_squeeze %dma_wait3A_468 : memref<1x2x128xi32, #tpu.memory_space<hbm>> -> memref<2x128xi32, #tpu.memory_space<hbm>>
        %dma_wait3A_470 = arith.constant 0 : i32
        %dma_wait3A_471 = arith.constant 0 : i32
        %dma_wait3A_472 = tpu.memref_slice %arg5[%add3A_104, %dma_wait3A_470, %dma_wait3A_471] : memref<40x2x128xi32, #tpu.memory_space<hbm>> -> memref<1x2x128xi32, #tpu.memory_space<hbm>>
        %dma_wait3A_473 = tpu.memref_squeeze %dma_wait3A_472 : memref<1x2x128xi32, #tpu.memory_space<hbm>> -> memref<2x128xi32, #tpu.memory_space<hbm>>
        tpu.wait_dma2 semaphore(%run_scoped3A_457 : memref<!tpu.dma_semaphore, #tpu.memory_space<semaphore_mem>>) src(%dma_wait3A_473 : memref<2x128xi32, #tpu.memory_space<hbm>>) dst(%arg16 : memref<2x128xi32, #tpu.memory_space<vmem>>)
        tpu.yield
      }) : () -> ()
      "tpu.region"() ({
        %run_scoped3A_457 = tpu.sem_alloc : memref<!tpu.dma_semaphore, #tpu.memory_space<semaphore_mem>>
        %dma_start3A_458 = arith.constant 0 : i32
        %dma_start3A_459 = arith.constant 0 : i32
        %dma_start3A_460 = tpu.memref_slice %arg6[%add3A_104, %dma_start3A_458, %dma_start3A_459] : memref<40x2x128xi32, #tpu.memory_space<hbm>> -> memref<1x2x128xi32, #tpu.memory_space<hbm>>
        %dma_start3A_461 = tpu.memref_squeeze %dma_start3A_460 : memref<1x2x128xi32, #tpu.memory_space<hbm>> -> memref<2x128xi32, #tpu.memory_space<hbm>>
        %dma_start3A_462 = arith.constant 0 : i32
        %dma_start3A_463 = arith.constant 0 : i32
        %dma_start3A_464 = tpu.memref_slice %arg6[%add3A_104, %dma_start3A_462, %dma_start3A_463] : memref<40x2x128xi32, #tpu.memory_space<hbm>> -> memref<1x2x128xi32, #tpu.memory_space<hbm>>
        %dma_start3A_465 = tpu.memref_squeeze %dma_start3A_464 : memref<1x2x128xi32, #tpu.memory_space<hbm>> -> memref<2x128xi32, #tpu.memory_space<hbm>>
        tpu.enqueue_dma source(%dma_start3A_465 : memref<2x128xi32, #tpu.memory_space<hbm>>) target(%arg17 : memref<2x128xi32, #tpu.memory_space<vmem>>) target_semaphore(%run_scoped3A_457 : memref<!tpu.dma_semaphore, #tpu.memory_space<semaphore_mem>>)
        %dma_wait3A_466 = arith.constant 0 : i32
        %dma_wait3A_467 = arith.constant 0 : i32
        %dma_wait3A_468 = tpu.memref_slice %arg6[%add3A_104, %dma_wait3A_466, %dma_wait3A_467] : memref<40x2x128xi32, #tpu.memory_space<hbm>> -> memref<1x2x128xi32, #tpu.memory_space<hbm>>
        %dma_wait3A_469 = tpu.memref_squeeze %dma_wait3A_468 : memref<1x2x128xi32, #tpu.memory_space<hbm>> -> memref<2x128xi32, #tpu.memory_space<hbm>>
        %dma_wait3A_470 = arith.constant 0 : i32
        %dma_wait3A_471 = arith.constant 0 : i32
        %dma_wait3A_472 = tpu.memref_slice %arg6[%add3A_104, %dma_wait3A_470, %dma_wait3A_471] : memref<40x2x128xi32, #tpu.memory_space<hbm>> -> memref<1x2x128xi32, #tpu.memory_space<hbm>>
        %dma_wait3A_473 = tpu.memref_squeeze %dma_wait3A_472 : memref<1x2x128xi32, #tpu.memory_space<hbm>> -> memref<2x128xi32, #tpu.memory_space<hbm>>
        tpu.wait_dma2 semaphore(%run_scoped3A_457 : memref<!tpu.dma_semaphore, #tpu.memory_space<semaphore_mem>>) src(%dma_wait3A_473 : memref<2x128xi32, #tpu.memory_space<hbm>>) dst(%arg17 : memref<2x128xi32, #tpu.memory_space<vmem>>)
        tpu.yield
      }) : () -> ()
      %get3A = arith.constant 0 : i32
      %get3A_107 = arith.index_cast %get3A : i32 to index
      %get3A_108 = arith.constant 0 : index
      %get3A_109 = tpu.vector_load %arg16[%get3A_107, %get3A_108] {strides = array<i32>} : memref<2x128xi32, #tpu.memory_space<vmem>>, vector<1x16xi32>,
      %get3A_110 = vector.shape_cast %get3A_109 : vector<1x16xi32> to vector<16xi32>
      %get3A_111 = arith.constant 0 : i32
      %get3A_112 = arith.index_cast %get3A_111 : i32 to index
      %get3A_113 = arith.constant 0 : index
      %get3A_114 = tpu.vector_load %arg17[%get3A_112, %get3A_113] {strides = array<i32>} : memref<2x128xi32, #tpu.memory_space<vmem>>, vector<1x16xi32>,
      %get3A_115 = vector.shape_cast %get3A_114 : vector<1x16xi32> to vector<16xi32>
      %ne3A_116 = arith.constant 0 : i32
      %ne3A_117 = vector.broadcast %ne3A_116 : i32 to vector<16xi32>
      %ne3A_118 = arith.cmpi ne, %get3A_115, %ne3A_117 : vector<16xi32>
      %jit3A_119 = arith.constant 64 : i32
      %broadcast_in_dim3A = vector.broadcast %jit3A_119 : i32 to vector<16xi32>
      %select_n3A_120 = arith.select %ne3A_118, %get3A_110, %broadcast_in_dim3A : vector<16xi1>, vector<16xi32>
      %swap3A = arith.constant 0 : i32
      %swap3A_121 = arith.index_cast %swap3A : i32 to index
      %swap3A_122 = arith.constant 0 : index
      %swap3A_123 = tpu.vector_load %arg13[%swap3A_121, %swap3A_122] {strides = array<i32>} : memref<2x128xi32, #tpu.memory_space<vmem>>, vector<1x16xi32>,
      %swap3A_124 = vector.shape_cast %swap3A_123 : vector<1x16xi32> to vector<16xi32>
      %swap3A_125 = vector.shape_cast %select_n3A_120 : vector<16xi32> to vector<1x16xi32>
      tpu.vector_store %arg13[%swap3A_121, %swap3A_122], %swap3A_125 {strides = array<i32>} : memref<2x128xi32, #tpu.memory_space<vmem>>, vector<1x16xi32>,
      %get3A_126 = arith.constant 0 : i32
      %get3A_127 = arith.index_cast %get3A_126 : i32 to index
      %get3A_128 = arith.constant 16 : index
      %get3A_129 = tpu.vector_load %arg16[%get3A_127, %get3A_128] {strides = array<i32>} : memref<2x128xi32, #tpu.memory_space<vmem>>, vector<1x16xi32>,
      %get3A_130 = vector.shape_cast %get3A_129 : vector<1x16xi32> to vector<16xi32>
      %get3A_131 = arith.constant 0 : i32
      %get3A_132 = arith.index_cast %get3A_131 : i32 to index
      %get3A_133 = arith.constant 16 : index
      %get3A_134 = tpu.vector_load %arg17[%get3A_132, %get3A_133] {strides = array<i32>} : memref<2x128xi32, #tpu.memory_space<vmem>>, vector<1x16xi32>,
      %get3A_135 = vector.shape_cast %get3A_134 : vector<1x16xi32> to vector<16xi32>
      %ne3A_136 = arith.constant 0 : i32
      %ne3A_137 = vector.broadcast %ne3A_136 : i32 to vector<16xi32>
      %ne3A_138 = arith.cmpi ne, %get3A_135, %ne3A_137 : vector<16xi32>
      %jit3A_139 = arith.constant 64 : i32
      %broadcast_in_dim3A_140 = vector.broadcast %jit3A_139 : i32 to vector<16xi32>
      %select_n3A_141 = arith.select %ne3A_138, %get3A_130, %broadcast_in_dim3A_140 : vector<16xi1>, vector<16xi32>
      %swap3A_142 = arith.constant 0 : i32
      %swap3A_143 = arith.index_cast %swap3A_142 : i32 to index
      %swap3A_144 = arith.constant 16 : index
      %swap3A_145 = tpu.vector_load %arg13[%swap3A_143, %swap3A_144] {strides = array<i32>} : memref<2x128xi32, #tpu.memory_space<vmem>>, vector<1x16xi32>,
      %swap3A_146 = vector.shape_cast %swap3A_145 : vector<1x16xi32> to vector<16xi32>
      %swap3A_147 = vector.shape_cast %select_n3A_141 : vector<16xi32> to vector<1x16xi32>
      tpu.vector_store %arg13[%swap3A_143, %swap3A_144], %swap3A_147 {strides = array<i32>} : memref<2x128xi32, #tpu.memory_space<vmem>>, vector<1x16xi32>,
      %get3A_148 = arith.constant 0 : i32
      %get3A_149 = arith.index_cast %get3A_148 : i32 to index
      %get3A_150 = arith.constant 32 : index
      %get3A_151 = tpu.vector_load %arg16[%get3A_149, %get3A_150] {strides = array<i32>} : memref<2x128xi32, #tpu.memory_space<vmem>>, vector<1x16xi32>,
      %get3A_152 = vector.shape_cast %get3A_151 : vector<1x16xi32> to vector<16xi32>
      %get3A_153 = arith.constant 0 : i32
      %get3A_154 = arith.index_cast %get3A_153 : i32 to index
      %get3A_155 = arith.constant 32 : index
      %get3A_156 = tpu.vector_load %arg17[%get3A_154, %get3A_155] {strides = array<i32>} : memref<2x128xi32, #tpu.memory_space<vmem>>, vector<1x16xi32>,
      %get3A_157 = vector.shape_cast %get3A_156 : vector<1x16xi32> to vector<16xi32>
      %ne3A_158 = arith.constant 0 : i32
      %ne3A_159 = vector.broadcast %ne3A_158 : i32 to vector<16xi32>
      %ne3A_160 = arith.cmpi ne, %get3A_157, %ne3A_159 : vector<16xi32>
      %jit3A_161 = arith.constant 64 : i32
      %broadcast_in_dim3A_162 = vector.broadcast %jit3A_161 : i32 to vector<16xi32>
      %select_n3A_163 = arith.select %ne3A_160, %get3A_152, %broadcast_in_dim3A_162 : vector<16xi1>, vector<16xi32>
      %swap3A_164 = arith.constant 0 : i32
      %swap3A_165 = arith.index_cast %swap3A_164 : i32 to index
      %swap3A_166 = arith.constant 32 : index
      %swap3A_167 = tpu.vector_load %arg13[%swap3A_165, %swap3A_166] {strides = array<i32>} : memref<2x128xi32, #tpu.memory_space<vmem>>, vector<1x16xi32>,
      %swap3A_168 = vector.shape_cast %swap3A_167 : vector<1x16xi32> to vector<16xi32>
      %swap3A_169 = vector.shape_cast %select_n3A_163 : vector<16xi32> to vector<1x16xi32>
      tpu.vector_store %arg13[%swap3A_165, %swap3A_166], %swap3A_169 {strides = array<i32>} : memref<2x128xi32, #tpu.memory_space<vmem>>, vector<1x16xi32>,
      %get3A_170 = arith.constant 0 : i32
      %get3A_171 = arith.index_cast %get3A_170 : i32 to index
      %get3A_172 = arith.constant 48 : index
      %get3A_173 = tpu.vector_load %arg16[%get3A_171, %get3A_172] {strides = array<i32>} : memref<2x128xi32, #tpu.memory_space<vmem>>, vector<1x16xi32>,
      %get3A_174 = vector.shape_cast %get3A_173 : vector<1x16xi32> to vector<16xi32>
      %get3A_175 = arith.constant 0 : i32
      %get3A_176 = arith.index_cast %get3A_175 : i32 to index
      %get3A_177 = arith.constant 48 : index
      %get3A_178 = tpu.vector_load %arg17[%get3A_176, %get3A_177] {strides = array<i32>} : memref<2x128xi32, #tpu.memory_space<vmem>>, vector<1x16xi32>,
      %get3A_179 = vector.shape_cast %get3A_178 : vector<1x16xi32> to vector<16xi32>
      %ne3A_180 = arith.constant 0 : i32
      %ne3A_181 = vector.broadcast %ne3A_180 : i32 to vector<16xi32>
      %ne3A_182 = arith.cmpi ne, %get3A_179, %ne3A_181 : vector<16xi32>
      %jit3A_183 = arith.constant 64 : i32
      %broadcast_in_dim3A_184 = vector.broadcast %jit3A_183 : i32 to vector<16xi32>
      %select_n3A_185 = arith.select %ne3A_182, %get3A_174, %broadcast_in_dim3A_184 : vector<16xi1>, vector<16xi32>
      %swap3A_186 = arith.constant 0 : i32
      %swap3A_187 = arith.index_cast %swap3A_186 : i32 to index
      %swap3A_188 = arith.constant 48 : index
      %swap3A_189 = tpu.vector_load %arg13[%swap3A_187, %swap3A_188] {strides = array<i32>} : memref<2x128xi32, #tpu.memory_space<vmem>>, vector<1x16xi32>,
      %swap3A_190 = vector.shape_cast %swap3A_189 : vector<1x16xi32> to vector<16xi32>
      %swap3A_191 = vector.shape_cast %select_n3A_185 : vector<16xi32> to vector<1x16xi32>
      tpu.vector_store %arg13[%swap3A_187, %swap3A_188], %swap3A_191 {strides = array<i32>} : memref<2x128xi32, #tpu.memory_space<vmem>>, vector<1x16xi32>,
      %get3A_192 = arith.constant 0 : i32
      %get3A_193 = arith.index_cast %get3A_192 : i32 to index
      %get3A_194 = arith.constant 64 : index
      %get3A_195 = tpu.vector_load %arg16[%get3A_193, %get3A_194] {strides = array<i32>} : memref<2x128xi32, #tpu.memory_space<vmem>>, vector<1x16xi32>,
      %get3A_196 = vector.shape_cast %get3A_195 : vector<1x16xi32> to vector<16xi32>
      %get3A_197 = arith.constant 0 : i32
      %get3A_198 = arith.index_cast %get3A_197 : i32 to index
      %get3A_199 = arith.constant 64 : index
      %get3A_200 = tpu.vector_load %arg17[%get3A_198, %get3A_199] {strides = array<i32>} : memref<2x128xi32, #tpu.memory_space<vmem>>, vector<1x16xi32>,
      %get3A_201 = vector.shape_cast %get3A_200 : vector<1x16xi32> to vector<16xi32>
      %ne3A_202 = arith.constant 0 : i32
      %ne3A_203 = vector.broadcast %ne3A_202 : i32 to vector<16xi32>
      %ne3A_204 = arith.cmpi ne, %get3A_201, %ne3A_203 : vector<16xi32>
      %jit3A_205 = arith.constant 64 : i32
      %broadcast_in_dim3A_206 = vector.broadcast %jit3A_205 : i32 to vector<16xi32>
      %select_n3A_207 = arith.select %ne3A_204, %get3A_196, %broadcast_in_dim3A_206 : vector<16xi1>, vector<16xi32>
      %swap3A_208 = arith.constant 0 : i32
      %swap3A_209 = arith.index_cast %swap3A_208 : i32 to index
      %swap3A_210 = arith.constant 64 : index
      %swap3A_211 = tpu.vector_load %arg13[%swap3A_209, %swap3A_210] {strides = array<i32>} : memref<2x128xi32, #tpu.memory_space<vmem>>, vector<1x16xi32>,
      %swap3A_212 = vector.shape_cast %swap3A_211 : vector<1x16xi32> to vector<16xi32>
      %swap3A_213 = vector.shape_cast %select_n3A_207 : vector<16xi32> to vector<1x16xi32>
      tpu.vector_store %arg13[%swap3A_209, %swap3A_210], %swap3A_213 {strides = array<i32>} : memref<2x128xi32, #tpu.memory_space<vmem>>, vector<1x16xi32>,
      %get3A_214 = arith.constant 0 : i32
      %get3A_215 = arith.index_cast %get3A_214 : i32 to index
      %get3A_216 = arith.constant 80 : index
      %get3A_217 = tpu.vector_load %arg16[%get3A_215, %get3A_216] {strides = array<i32>} : memref<2x128xi32, #tpu.memory_space<vmem>>, vector<1x16xi32>,
      %get3A_218 = vector.shape_cast %get3A_217 : vector<1x16xi32> to vector<16xi32>
      %get3A_219 = arith.constant 0 : i32
      %get3A_220 = arith.index_cast %get3A_219 : i32 to index
      %get3A_221 = arith.constant 80 : index
      %get3A_222 = tpu.vector_load %arg17[%get3A_220, %get3A_221] {strides = array<i32>} : memref<2x128xi32, #tpu.memory_space<vmem>>, vector<1x16xi32>,
      %get3A_223 = vector.shape_cast %get3A_222 : vector<1x16xi32> to vector<16xi32>
      %ne3A_224 = arith.constant 0 : i32
      %ne3A_225 = vector.broadcast %ne3A_224 : i32 to vector<16xi32>
      %ne3A_226 = arith.cmpi ne, %get3A_223, %ne3A_225 : vector<16xi32>
      %jit3A_227 = arith.constant 64 : i32
      %broadcast_in_dim3A_228 = vector.broadcast %jit3A_227 : i32 to vector<16xi32>
      %select_n3A_229 = arith.select %ne3A_226, %get3A_218, %broadcast_in_dim3A_228 : vector<16xi1>, vector<16xi32>
      %swap3A_230 = arith.constant 0 : i32
      %swap3A_231 = arith.index_cast %swap3A_230 : i32 to index
      %swap3A_232 = arith.constant 80 : index
      %swap3A_233 = tpu.vector_load %arg13[%swap3A_231, %swap3A_232] {strides = array<i32>} : memref<2x128xi32, #tpu.memory_space<vmem>>, vector<1x16xi32>,
      %swap3A_234 = vector.shape_cast %swap3A_233 : vector<1x16xi32> to vector<16xi32>
      %swap3A_235 = vector.shape_cast %select_n3A_229 : vector<16xi32> to vector<1x16xi32>
      tpu.vector_store %arg13[%swap3A_231, %swap3A_232], %swap3A_235 {strides = array<i32>} : memref<2x128xi32, #tpu.memory_space<vmem>>, vector<1x16xi32>,
      %get3A_236 = arith.constant 0 : i32
      %get3A_237 = arith.index_cast %get3A_236 : i32 to index
      %get3A_238 = arith.constant 96 : index
      %get3A_239 = tpu.vector_load %arg16[%get3A_237, %get3A_238] {strides = array<i32>} : memref<2x128xi32, #tpu.memory_space<vmem>>, vector<1x16xi32>,
      %get3A_240 = vector.shape_cast %get3A_239 : vector<1x16xi32> to vector<16xi32>
      %get3A_241 = arith.constant 0 : i32
      %get3A_242 = arith.index_cast %get3A_241 : i32 to index
      %get3A_243 = arith.constant 96 : index
      %get3A_244 = tpu.vector_load %arg17[%get3A_242, %get3A_243] {strides = array<i32>} : memref<2x128xi32, #tpu.memory_space<vmem>>, vector<1x16xi32>,
      %get3A_245 = vector.shape_cast %get3A_244 : vector<1x16xi32> to vector<16xi32>
      %ne3A_246 = arith.constant 0 : i32
      %ne3A_247 = vector.broadcast %ne3A_246 : i32 to vector<16xi32>
      %ne3A_248 = arith.cmpi ne, %get3A_245, %ne3A_247 : vector<16xi32>
      %jit3A_249 = arith.constant 64 : i32
      %broadcast_in_dim3A_250 = vector.broadcast %jit3A_249 : i32 to vector<16xi32>
      %select_n3A_251 = arith.select %ne3A_248, %get3A_240, %broadcast_in_dim3A_250 : vector<16xi1>, vector<16xi32>
      %swap3A_252 = arith.constant 0 : i32
      %swap3A_253 = arith.index_cast %swap3A_252 : i32 to index
      %swap3A_254 = arith.constant 96 : index
      %swap3A_255 = tpu.vector_load %arg13[%swap3A_253, %swap3A_254] {strides = array<i32>} : memref<2x128xi32, #tpu.memory_space<vmem>>, vector<1x16xi32>,
      %swap3A_256 = vector.shape_cast %swap3A_255 : vector<1x16xi32> to vector<16xi32>
      %swap3A_257 = vector.shape_cast %select_n3A_251 : vector<16xi32> to vector<1x16xi32>
      tpu.vector_store %arg13[%swap3A_253, %swap3A_254], %swap3A_257 {strides = array<i32>} : memref<2x128xi32, #tpu.memory_space<vmem>>, vector<1x16xi32>,
      %get3A_258 = arith.constant 0 : i32
      %get3A_259 = arith.index_cast %get3A_258 : i32 to index
      %get3A_260 = arith.constant 112 : index
      %get3A_261 = tpu.vector_load %arg16[%get3A_259, %get3A_260] {strides = array<i32>} : memref<2x128xi32, #tpu.memory_space<vmem>>, vector<1x16xi32>,
      %get3A_262 = vector.shape_cast %get3A_261 : vector<1x16xi32> to vector<16xi32>
      %get3A_263 = arith.constant 0 : i32
      %get3A_264 = arith.index_cast %get3A_263 : i32 to index
      %get3A_265 = arith.constant 112 : index
      %get3A_266 = tpu.vector_load %arg17[%get3A_264, %get3A_265] {strides = array<i32>} : memref<2x128xi32, #tpu.memory_space<vmem>>, vector<1x16xi32>,
      %get3A_267 = vector.shape_cast %get3A_266 : vector<1x16xi32> to vector<16xi32>
      %ne3A_268 = arith.constant 0 : i32
      %ne3A_269 = vector.broadcast %ne3A_268 : i32 to vector<16xi32>
      %ne3A_270 = arith.cmpi ne, %get3A_267, %ne3A_269 : vector<16xi32>
      %jit3A_271 = arith.constant 64 : i32
      %broadcast_in_dim3A_272 = vector.broadcast %jit3A_271 : i32 to vector<16xi32>
      %select_n3A_273 = arith.select %ne3A_270, %get3A_262, %broadcast_in_dim3A_272 : vector<16xi1>, vector<16xi32>
      %swap3A_274 = arith.constant 0 : i32
      %swap3A_275 = arith.index_cast %swap3A_274 : i32 to index
      %swap3A_276 = arith.constant 112 : index
      %swap3A_277 = tpu.vector_load %arg13[%swap3A_275, %swap3A_276] {strides = array<i32>} : memref<2x128xi32, #tpu.memory_space<vmem>>, vector<1x16xi32>,
      %swap3A_278 = vector.shape_cast %swap3A_277 : vector<1x16xi32> to vector<16xi32>
      %swap3A_279 = vector.shape_cast %select_n3A_273 : vector<16xi32> to vector<1x16xi32>
      tpu.vector_store %arg13[%swap3A_275, %swap3A_276], %swap3A_279 {strides = array<i32>} : memref<2x128xi32, #tpu.memory_space<vmem>>, vector<1x16xi32>,
      %get3A_280 = arith.constant 1 : i32
      %get3A_281 = arith.index_cast %get3A_280 : i32 to index
      %get3A_282 = arith.constant 0 : index
      %get3A_283 = tpu.vector_load %arg16[%get3A_281, %get3A_282] {strides = array<i32>} : memref<2x128xi32, #tpu.memory_space<vmem>>, vector<1x16xi32>,
      %get3A_284 = vector.shape_cast %get3A_283 : vector<1x16xi32> to vector<16xi32>
      %get3A_285 = arith.constant 1 : i32
      %get3A_286 = arith.index_cast %get3A_285 : i32 to index
      %get3A_287 = arith.constant 0 : index
      %get3A_288 = tpu.vector_load %arg17[%get3A_286, %get3A_287] {strides = array<i32>} : memref<2x128xi32, #tpu.memory_space<vmem>>, vector<1x16xi32>,
      %get3A_289 = vector.shape_cast %get3A_288 : vector<1x16xi32> to vector<16xi32>
      %ne3A_290 = arith.constant 0 : i32
      %ne3A_291 = vector.broadcast %ne3A_290 : i32 to vector<16xi32>
      %ne3A_292 = arith.cmpi ne, %get3A_289, %ne3A_291 : vector<16xi32>
      %jit3A_293 = arith.constant 64 : i32
      %broadcast_in_dim3A_294 = vector.broadcast %jit3A_293 : i32 to vector<16xi32>
      %select_n3A_295 = arith.select %ne3A_292, %get3A_284, %broadcast_in_dim3A_294 : vector<16xi1>, vector<16xi32>
      %swap3A_296 = arith.constant 1 : i32
      %swap3A_297 = arith.index_cast %swap3A_296 : i32 to index
      %swap3A_298 = arith.constant 0 : index
      %swap3A_299 = tpu.vector_load %arg13[%swap3A_297, %swap3A_298] {strides = array<i32>} : memref<2x128xi32, #tpu.memory_space<vmem>>, vector<1x16xi32>,
      %swap3A_300 = vector.shape_cast %swap3A_299 : vector<1x16xi32> to vector<16xi32>
      %swap3A_301 = vector.shape_cast %select_n3A_295 : vector<16xi32> to vector<1x16xi32>
      tpu.vector_store %arg13[%swap3A_297, %swap3A_298], %swap3A_301 {strides = array<i32>} : memref<2x128xi32, #tpu.memory_space<vmem>>, vector<1x16xi32>,
      %get3A_302 = arith.constant 1 : i32
      %get3A_303 = arith.index_cast %get3A_302 : i32 to index
      %get3A_304 = arith.constant 16 : index
      %get3A_305 = tpu.vector_load %arg16[%get3A_303, %get3A_304] {strides = array<i32>} : memref<2x128xi32, #tpu.memory_space<vmem>>, vector<1x16xi32>,
      %get3A_306 = vector.shape_cast %get3A_305 : vector<1x16xi32> to vector<16xi32>
      %get3A_307 = arith.constant 1 : i32
      %get3A_308 = arith.index_cast %get3A_307 : i32 to index
      %get3A_309 = arith.constant 16 : index
      %get3A_310 = tpu.vector_load %arg17[%get3A_308, %get3A_309] {strides = array<i32>} : memref<2x128xi32, #tpu.memory_space<vmem>>, vector<1x16xi32>,
      %get3A_311 = vector.shape_cast %get3A_310 : vector<1x16xi32> to vector<16xi32>
      %ne3A_312 = arith.constant 0 : i32
      %ne3A_313 = vector.broadcast %ne3A_312 : i32 to vector<16xi32>
      %ne3A_314 = arith.cmpi ne, %get3A_311, %ne3A_313 : vector<16xi32>
      %jit3A_315 = arith.constant 64 : i32
      %broadcast_in_dim3A_316 = vector.broadcast %jit3A_315 : i32 to vector<16xi32>
      %select_n3A_317 = arith.select %ne3A_314, %get3A_306, %broadcast_in_dim3A_316 : vector<16xi1>, vector<16xi32>
      %swap3A_318 = arith.constant 1 : i32
      %swap3A_319 = arith.index_cast %swap3A_318 : i32 to index
      %swap3A_320 = arith.constant 16 : index
      %swap3A_321 = tpu.vector_load %arg13[%swap3A_319, %swap3A_320] {strides = array<i32>} : memref<2x128xi32, #tpu.memory_space<vmem>>, vector<1x16xi32>,
      %swap3A_322 = vector.shape_cast %swap3A_321 : vector<1x16xi32> to vector<16xi32>
      %swap3A_323 = vector.shape_cast %select_n3A_317 : vector<16xi32> to vector<1x16xi32>
      tpu.vector_store %arg13[%swap3A_319, %swap3A_320], %swap3A_323 {strides = array<i32>} : memref<2x128xi32, #tpu.memory_space<vmem>>, vector<1x16xi32>,
      %get3A_324 = arith.constant 1 : i32
      %get3A_325 = arith.index_cast %get3A_324 : i32 to index
      %get3A_326 = arith.constant 32 : index
      %get3A_327 = tpu.vector_load %arg16[%get3A_325, %get3A_326] {strides = array<i32>} : memref<2x128xi32, #tpu.memory_space<vmem>>, vector<1x16xi32>,
      %get3A_328 = vector.shape_cast %get3A_327 : vector<1x16xi32> to vector<16xi32>
      %get3A_329 = arith.constant 1 : i32
      %get3A_330 = arith.index_cast %get3A_329 : i32 to index
      %get3A_331 = arith.constant 32 : index
      %get3A_332 = tpu.vector_load %arg17[%get3A_330, %get3A_331] {strides = array<i32>} : memref<2x128xi32, #tpu.memory_space<vmem>>, vector<1x16xi32>,
      %get3A_333 = vector.shape_cast %get3A_332 : vector<1x16xi32> to vector<16xi32>
      %ne3A_334 = arith.constant 0 : i32
      %ne3A_335 = vector.broadcast %ne3A_334 : i32 to vector<16xi32>
      %ne3A_336 = arith.cmpi ne, %get3A_333, %ne3A_335 : vector<16xi32>
      %jit3A_337 = arith.constant 64 : i32
      %broadcast_in_dim3A_338 = vector.broadcast %jit3A_337 : i32 to vector<16xi32>
      %select_n3A_339 = arith.select %ne3A_336, %get3A_328, %broadcast_in_dim3A_338 : vector<16xi1>, vector<16xi32>
      %swap3A_340 = arith.constant 1 : i32
      %swap3A_341 = arith.index_cast %swap3A_340 : i32 to index
      %swap3A_342 = arith.constant 32 : index
      %swap3A_343 = tpu.vector_load %arg13[%swap3A_341, %swap3A_342] {strides = array<i32>} : memref<2x128xi32, #tpu.memory_space<vmem>>, vector<1x16xi32>,
      %swap3A_344 = vector.shape_cast %swap3A_343 : vector<1x16xi32> to vector<16xi32>
      %swap3A_345 = vector.shape_cast %select_n3A_339 : vector<16xi32> to vector<1x16xi32>
      tpu.vector_store %arg13[%swap3A_341, %swap3A_342], %swap3A_345 {strides = array<i32>} : memref<2x128xi32, #tpu.memory_space<vmem>>, vector<1x16xi32>,
      %get3A_346 = arith.constant 1 : i32
      %get3A_347 = arith.index_cast %get3A_346 : i32 to index
      %get3A_348 = arith.constant 48 : index
      %get3A_349 = tpu.vector_load %arg16[%get3A_347, %get3A_348] {strides = array<i32>} : memref<2x128xi32, #tpu.memory_space<vmem>>, vector<1x16xi32>,
      %get3A_350 = vector.shape_cast %get3A_349 : vector<1x16xi32> to vector<16xi32>
      %get3A_351 = arith.constant 1 : i32
      %get3A_352 = arith.index_cast %get3A_351 : i32 to index
      %get3A_353 = arith.constant 48 : index
      %get3A_354 = tpu.vector_load %arg17[%get3A_352, %get3A_353] {strides = array<i32>} : memref<2x128xi32, #tpu.memory_space<vmem>>, vector<1x16xi32>,
      %get3A_355 = vector.shape_cast %get3A_354 : vector<1x16xi32> to vector<16xi32>
      %ne3A_356 = arith.constant 0 : i32
      %ne3A_357 = vector.broadcast %ne3A_356 : i32 to vector<16xi32>
      %ne3A_358 = arith.cmpi ne, %get3A_355, %ne3A_357 : vector<16xi32>
      %jit3A_359 = arith.constant 64 : i32
      %broadcast_in_dim3A_360 = vector.broadcast %jit3A_359 : i32 to vector<16xi32>
      %select_n3A_361 = arith.select %ne3A_358, %get3A_350, %broadcast_in_dim3A_360 : vector<16xi1>, vector<16xi32>
      %swap3A_362 = arith.constant 1 : i32
      %swap3A_363 = arith.index_cast %swap3A_362 : i32 to index
      %swap3A_364 = arith.constant 48 : index
      %swap3A_365 = tpu.vector_load %arg13[%swap3A_363, %swap3A_364] {strides = array<i32>} : memref<2x128xi32, #tpu.memory_space<vmem>>, vector<1x16xi32>,
      %swap3A_366 = vector.shape_cast %swap3A_365 : vector<1x16xi32> to vector<16xi32>
      %swap3A_367 = vector.shape_cast %select_n3A_361 : vector<16xi32> to vector<1x16xi32>
      tpu.vector_store %arg13[%swap3A_363, %swap3A_364], %swap3A_367 {strides = array<i32>} : memref<2x128xi32, #tpu.memory_space<vmem>>, vector<1x16xi32>,
      %get3A_368 = arith.constant 1 : i32
      %get3A_369 = arith.index_cast %get3A_368 : i32 to index
      %get3A_370 = arith.constant 64 : index
      %get3A_371 = tpu.vector_load %arg16[%get3A_369, %get3A_370] {strides = array<i32>} : memref<2x128xi32, #tpu.memory_space<vmem>>, vector<1x16xi32>,
      %get3A_372 = vector.shape_cast %get3A_371 : vector<1x16xi32> to vector<16xi32>
      %get3A_373 = arith.constant 1 : i32
      %get3A_374 = arith.index_cast %get3A_373 : i32 to index
      %get3A_375 = arith.constant 64 : index
      %get3A_376 = tpu.vector_load %arg17[%get3A_374, %get3A_375] {strides = array<i32>} : memref<2x128xi32, #tpu.memory_space<vmem>>, vector<1x16xi32>,
      %get3A_377 = vector.shape_cast %get3A_376 : vector<1x16xi32> to vector<16xi32>
      %ne3A_378 = arith.constant 0 : i32
      %ne3A_379 = vector.broadcast %ne3A_378 : i32 to vector<16xi32>
      %ne3A_380 = arith.cmpi ne, %get3A_377, %ne3A_379 : vector<16xi32>
      %jit3A_381 = arith.constant 64 : i32
      %broadcast_in_dim3A_382 = vector.broadcast %jit3A_381 : i32 to vector<16xi32>
      %select_n3A_383 = arith.select %ne3A_380, %get3A_372, %broadcast_in_dim3A_382 : vector<16xi1>, vector<16xi32>
      %swap3A_384 = arith.constant 1 : i32
      %swap3A_385 = arith.index_cast %swap3A_384 : i32 to index
      %swap3A_386 = arith.constant 64 : index
      %swap3A_387 = tpu.vector_load %arg13[%swap3A_385, %swap3A_386] {strides = array<i32>} : memref<2x128xi32, #tpu.memory_space<vmem>>, vector<1x16xi32>,
      %swap3A_388 = vector.shape_cast %swap3A_387 : vector<1x16xi32> to vector<16xi32>
      %swap3A_389 = vector.shape_cast %select_n3A_383 : vector<16xi32> to vector<1x16xi32>
      tpu.vector_store %arg13[%swap3A_385, %swap3A_386], %swap3A_389 {strides = array<i32>} : memref<2x128xi32, #tpu.memory_space<vmem>>, vector<1x16xi32>,
      %get3A_390 = arith.constant 1 : i32
      %get3A_391 = arith.index_cast %get3A_390 : i32 to index
      %get3A_392 = arith.constant 80 : index
      %get3A_393 = tpu.vector_load %arg16[%get3A_391, %get3A_392] {strides = array<i32>} : memref<2x128xi32, #tpu.memory_space<vmem>>, vector<1x16xi32>,
      %get3A_394 = vector.shape_cast %get3A_393 : vector<1x16xi32> to vector<16xi32>
      %get3A_395 = arith.constant 1 : i32
      %get3A_396 = arith.index_cast %get3A_395 : i32 to index
      %get3A_397 = arith.constant 80 : index
      %get3A_398 = tpu.vector_load %arg17[%get3A_396, %get3A_397] {strides = array<i32>} : memref<2x128xi32, #tpu.memory_space<vmem>>, vector<1x16xi32>,
      %get3A_399 = vector.shape_cast %get3A_398 : vector<1x16xi32> to vector<16xi32>
      %ne3A_400 = arith.constant 0 : i32
      %ne3A_401 = vector.broadcast %ne3A_400 : i32 to vector<16xi32>
      %ne3A_402 = arith.cmpi ne, %get3A_399, %ne3A_401 : vector<16xi32>
      %jit3A_403 = arith.constant 64 : i32
      %broadcast_in_dim3A_404 = vector.broadcast %jit3A_403 : i32 to vector<16xi32>
      %select_n3A_405 = arith.select %ne3A_402, %get3A_394, %broadcast_in_dim3A_404 : vector<16xi1>, vector<16xi32>
      %swap3A_406 = arith.constant 1 : i32
      %swap3A_407 = arith.index_cast %swap3A_406 : i32 to index
      %swap3A_408 = arith.constant 80 : index
      %swap3A_409 = tpu.vector_load %arg13[%swap3A_407, %swap3A_408] {strides = array<i32>} : memref<2x128xi32, #tpu.memory_space<vmem>>, vector<1x16xi32>,
      %swap3A_410 = vector.shape_cast %swap3A_409 : vector<1x16xi32> to vector<16xi32>
      %swap3A_411 = vector.shape_cast %select_n3A_405 : vector<16xi32> to vector<1x16xi32>
      tpu.vector_store %arg13[%swap3A_407, %swap3A_408], %swap3A_411 {strides = array<i32>} : memref<2x128xi32, #tpu.memory_space<vmem>>, vector<1x16xi32>,
      %get3A_412 = arith.constant 1 : i32
      %get3A_413 = arith.index_cast %get3A_412 : i32 to index
      %get3A_414 = arith.constant 96 : index
      %get3A_415 = tpu.vector_load %arg16[%get3A_413, %get3A_414] {strides = array<i32>} : memref<2x128xi32, #tpu.memory_space<vmem>>, vector<1x16xi32>,
      %get3A_416 = vector.shape_cast %get3A_415 : vector<1x16xi32> to vector<16xi32>
      %get3A_417 = arith.constant 1 : i32
      %get3A_418 = arith.index_cast %get3A_417 : i32 to index
      %get3A_419 = arith.constant 96 : index
      %get3A_420 = tpu.vector_load %arg17[%get3A_418, %get3A_419] {strides = array<i32>} : memref<2x128xi32, #tpu.memory_space<vmem>>, vector<1x16xi32>,
      %get3A_421 = vector.shape_cast %get3A_420 : vector<1x16xi32> to vector<16xi32>
      %ne3A_422 = arith.constant 0 : i32
      %ne3A_423 = vector.broadcast %ne3A_422 : i32 to vector<16xi32>
      %ne3A_424 = arith.cmpi ne, %get3A_421, %ne3A_423 : vector<16xi32>
      %jit3A_425 = arith.constant 64 : i32
      %broadcast_in_dim3A_426 = vector.broadcast %jit3A_425 : i32 to vector<16xi32>
      %select_n3A_427 = arith.select %ne3A_424, %get3A_416, %broadcast_in_dim3A_426 : vector<16xi1>, vector<16xi32>
      %swap3A_428 = arith.constant 1 : i32
      %swap3A_429 = arith.index_cast %swap3A_428 : i32 to index
      %swap3A_430 = arith.constant 96 : index
      %swap3A_431 = tpu.vector_load %arg13[%swap3A_429, %swap3A_430] {strides = array<i32>} : memref<2x128xi32, #tpu.memory_space<vmem>>, vector<1x16xi32>,
      %swap3A_432 = vector.shape_cast %swap3A_431 : vector<1x16xi32> to vector<16xi32>
      %swap3A_433 = vector.shape_cast %select_n3A_427 : vector<16xi32> to vector<1x16xi32>
      tpu.vector_store %arg13[%swap3A_429, %swap3A_430], %swap3A_433 {strides = array<i32>} : memref<2x128xi32, #tpu.memory_space<vmem>>, vector<1x16xi32>,
      %get3A_434 = arith.constant 1 : i32
      %get3A_435 = arith.index_cast %get3A_434 : i32 to index
      %get3A_436 = arith.constant 112 : index
      %get3A_437 = tpu.vector_load %arg16[%get3A_435, %get3A_436] {strides = array<i32>} : memref<2x128xi32, #tpu.memory_space<vmem>>, vector<1x16xi32>,
      %get3A_438 = vector.shape_cast %get3A_437 : vector<1x16xi32> to vector<16xi32>
      %get3A_439 = arith.constant 1 : i32
      %get3A_440 = arith.index_cast %get3A_439 : i32 to index
      %get3A_441 = arith.constant 112 : index
      %get3A_442 = tpu.vector_load %arg17[%get3A_440, %get3A_441] {strides = array<i32>} : memref<2x128xi32, #tpu.memory_space<vmem>>, vector<1x16xi32>,
      %get3A_443 = vector.shape_cast %get3A_442 : vector<1x16xi32> to vector<16xi32>
      %ne3A_444 = arith.constant 0 : i32
      %ne3A_445 = vector.broadcast %ne3A_444 : i32 to vector<16xi32>
      %ne3A_446 = arith.cmpi ne, %get3A_443, %ne3A_445 : vector<16xi32>
      %jit3A_447 = arith.constant 64 : i32
      %broadcast_in_dim3A_448 = vector.broadcast %jit3A_447 : i32 to vector<16xi32>
      %select_n3A_449 = arith.select %ne3A_446, %get3A_438, %broadcast_in_dim3A_448 : vector<16xi1>, vector<16xi32>
      %swap3A_450 = arith.constant 1 : i32
      %swap3A_451 = arith.index_cast %swap3A_450 : i32 to index
      %swap3A_452 = arith.constant 112 : index
      %swap3A_453 = tpu.vector_load %arg13[%swap3A_451, %swap3A_452] {strides = array<i32>} : memref<2x128xi32, #tpu.memory_space<vmem>>, vector<1x16xi32>,
      %swap3A_454 = vector.shape_cast %swap3A_453 : vector<1x16xi32> to vector<16xi32>
      %swap3A_455 = vector.shape_cast %select_n3A_449 : vector<16xi32> to vector<1x16xi32>
      tpu.vector_store %arg13[%swap3A_451, %swap3A_452], %swap3A_455 {strides = array<i32>} : memref<2x128xi32, #tpu.memory_space<vmem>>, vector<1x16xi32>,
      %run_scoped3A = arith.constant 0 : i32
      "tpu.region"() ({
        %run_scoped3A_457 = tpu.sem_alloc : memref<!tpu.dma_semaphore, #tpu.memory_space<semaphore_mem>>
        %dma_start3A_458 = arith.constant 0 : i32
        %dma_start3A_459 = arith.constant 0 : i32
        %dma_start3A_460 = tpu.memref_slice %arg10[%dma_start3A_458, %dma_start3A_459] : memref<256x128xf32, #tpu.memory_space<vmem>> -> memref<128x128xf32, #tpu.memory_space<vmem>>
        %dma_start3A_461 = arith.constant 0 : i32
        %dma_start3A_462 = tpu.memref_slice %arg13[%run_scoped3A, %dma_start3A_461] : memref<2x128xi32, #tpu.memory_space<vmem>> -> memref<1x128xi32, #tpu.memory_space<vmem>>
        %dma_start3A_463 = tpu.memref_squeeze %dma_start3A_462 : memref<1x128xi32, #tpu.memory_space<vmem>> -> memref<128xi32, #tpu.memory_space<vmem>>
        %dma_start3A_464 = arith.constant 0 : i32
        %dma_start3A_465 = arith.constant 0 : i32
        %dma_start3A_466 = tpu.memref_slice %arg19[%dma_start3A_464, %dma_start3A_465] : memref<65x128xf32, #tpu.memory_space<vmem_shared>> -> memref<65x128xf32, #tpu.memory_space<vmem_shared>>
        tpu.enqueue_indirect_dma source(%dma_start3A_460 : memref<128x128xf32, #tpu.memory_space<vmem>>) target(%dma_start3A_466 : memref<65x128xf32, #tpu.memory_space<vmem_shared>>) offsets(%dma_start3A_463 : memref<128xi32, #tpu.memory_space<vmem>>) semaphore(%run_scoped3A_457 : memref<!tpu.dma_semaphore, #tpu.memory_space<semaphore_mem>>) {add = true}
        %dma_wait3A_467 = arith.constant 0 : i32
        %dma_wait3A_468 = arith.constant 0 : i32
        %dma_wait3A_469 = tpu.memref_slice %arg10[%dma_wait3A_467, %dma_wait3A_468] : memref<256x128xf32, #tpu.memory_space<vmem>> -> memref<128x128xf32, #tpu.memory_space<vmem>>
        %dma_wait3A_470 = arith.constant 0 : i32
        %dma_wait3A_471 = tpu.memref_slice %arg13[%run_scoped3A, %dma_wait3A_470] : memref<2x128xi32, #tpu.memory_space<vmem>> -> memref<1x128xi32, #tpu.memory_space<vmem>>
        %dma_wait3A_472 = tpu.memref_squeeze %dma_wait3A_471 : memref<1x128xi32, #tpu.memory_space<vmem>> -> memref<128xi32, #tpu.memory_space<vmem>>
        %dma_wait3A_473 = arith.constant 0 : i32
        %dma_wait3A_474 = arith.constant 0 : i32
        %dma_wait3A_475 = tpu.memref_slice %arg19[%dma_wait3A_473, %dma_wait3A_474] : memref<65x128xf32, #tpu.memory_space<vmem_shared>> -> memref<65x128xf32, #tpu.memory_space<vmem_shared>>
        tpu.wait_indirect_dma semaphore(%run_scoped3A_457 : memref<!tpu.dma_semaphore, #tpu.memory_space<semaphore_mem>>) src(%dma_wait3A_469 : memref<128x128xf32, #tpu.memory_space<vmem>>) dst(%dma_wait3A_475 : memref<65x128xf32, #tpu.memory_space<vmem_shared>>)
        tpu.yield
      }) : () -> ()
      %run_scoped3A_456 = arith.constant 1 : i32
      "tpu.region"() ({
        %run_scoped3A_457 = tpu.sem_alloc : memref<!tpu.dma_semaphore, #tpu.memory_space<semaphore_mem>>
        %dma_start3A_458 = arith.constant 128 : i32
        %dma_start3A_459 = arith.constant 0 : i32
        %dma_start3A_460 = tpu.memref_slice %arg10[%dma_start3A_458, %dma_start3A_459] : memref<256x128xf32, #tpu.memory_space<vmem>> -> memref<128x128xf32, #tpu.memory_space<vmem>>
        %dma_start3A_461 = arith.constant 0 : i32
        %dma_start3A_462 = tpu.memref_slice %arg13[%run_scoped3A_456, %dma_start3A_461] : memref<2x128xi32, #tpu.memory_space<vmem>> -> memref<1x128xi32, #tpu.memory_space<vmem>>
        %dma_start3A_463 = tpu.memref_squeeze %dma_start3A_462 : memref<1x128xi32, #tpu.memory_space<vmem>> -> memref<128xi32, #tpu.memory_space<vmem>>
        %dma_start3A_464 = arith.constant 0 : i32
        %dma_start3A_465 = arith.constant 0 : i32
        %dma_start3A_466 = tpu.memref_slice %arg19[%dma_start3A_464, %dma_start3A_465] : memref<65x128xf32, #tpu.memory_space<vmem_shared>> -> memref<65x128xf32, #tpu.memory_space<vmem_shared>>
        tpu.enqueue_indirect_dma source(%dma_start3A_460 : memref<128x128xf32, #tpu.memory_space<vmem>>) target(%dma_start3A_466 : memref<65x128xf32, #tpu.memory_space<vmem_shared>>) offsets(%dma_start3A_463 : memref<128xi32, #tpu.memory_space<vmem>>) semaphore(%run_scoped3A_457 : memref<!tpu.dma_semaphore, #tpu.memory_space<semaphore_mem>>) {add = true}
        %dma_wait3A_467 = arith.constant 128 : i32
        %dma_wait3A_468 = arith.constant 0 : i32
        %dma_wait3A_469 = tpu.memref_slice %arg10[%dma_wait3A_467, %dma_wait3A_468] : memref<256x128xf32, #tpu.memory_space<vmem>> -> memref<128x128xf32, #tpu.memory_space<vmem>>
        %dma_wait3A_470 = arith.constant 0 : i32
        %dma_wait3A_471 = tpu.memref_slice %arg13[%run_scoped3A_456, %dma_wait3A_470] : memref<2x128xi32, #tpu.memory_space<vmem>> -> memref<1x128xi32, #tpu.memory_space<vmem>>
        %dma_wait3A_472 = tpu.memref_squeeze %dma_wait3A_471 : memref<1x128xi32, #tpu.memory_space<vmem>> -> memref<128xi32, #tpu.memory_space<vmem>>
        %dma_wait3A_473 = arith.constant 0 : i32
        %dma_wait3A_474 = arith.constant 0 : i32
        %dma_wait3A_475 = tpu.memref_slice %arg19[%dma_wait3A_473, %dma_wait3A_474] : memref<65x128xf32, #tpu.memory_space<vmem_shared>> -> memref<65x128xf32, #tpu.memory_space<vmem_shared>>
        tpu.wait_indirect_dma semaphore(%run_scoped3A_457 : memref<!tpu.dma_semaphore, #tpu.memory_space<semaphore_mem>>) src(%dma_wait3A_469 : memref<128x128xf32, #tpu.memory_space<vmem>>) dst(%dma_wait3A_475 : memref<65x128xf32, #tpu.memory_space<vmem_shared>>)
        tpu.yield
      }) : () -> ()
    }
    %barrier3A_95 = arith.constant 0 : index
    tpu.barrier barrier_id(%barrier3A_95)
    %eq3A_96 = arith.constant 0 : i32
    %eq3A_97 = arith.cmpi eq, %arg1, %eq3A_96 : i32
    %convert_element_type3A_98 = arith.extui %eq3A_97 : i1 to i32
    %cond3A_99 = arith.constant 0 : i32
    %cond3A_100 = arith.cmpi ne, %convert_element_type3A_98, %cond3A_99 : i32
    scf.if %cond3A_100 {
      "tpu.region"() ({
        %run_scoped3A = tpu.sem_alloc : memref<!tpu.dma_semaphore, #tpu.memory_space<semaphore_mem>>
        %dma_start3A_101 = arith.constant 0 : i32
        %dma_start3A_102 = arith.constant 0 : i32
        %dma_start3A_103 = tpu.memref_slice %arg8[%arg0, %dma_start3A_101, %dma_start3A_102] : memref<2x65x128xf32, #tpu.memory_space<hbm>> -> memref<1x65x128xf32, #tpu.memory_space<hbm>>
        %dma_start3A_104 = tpu.memref_squeeze %dma_start3A_103 : memref<1x65x128xf32, #tpu.memory_space<hbm>> -> memref<65x128xf32, #tpu.memory_space<hbm>>
        tpu.enqueue_dma source(%arg18 : memref<65x128xf32, #tpu.memory_space<vmem_shared>>) target(%dma_start3A_104 : memref<65x128xf32, #tpu.memory_space<hbm>>) target_semaphore(%run_scoped3A : memref<!tpu.dma_semaphore, #tpu.memory_space<semaphore_mem>>)
        %dma_wait3A_105 = arith.constant 0 : i32
        %dma_wait3A_106 = arith.constant 0 : i32
        %dma_wait3A_107 = tpu.memref_slice %arg8[%arg0, %dma_wait3A_105, %dma_wait3A_106] : memref<2x65x128xf32, #tpu.memory_space<hbm>> -> memref<1x65x128xf32, #tpu.memory_space<hbm>>
        %dma_wait3A_108 = tpu.memref_squeeze %dma_wait3A_107 : memref<1x65x128xf32, #tpu.memory_space<hbm>> -> memref<65x128xf32, #tpu.memory_space<hbm>>
        tpu.wait_dma2 semaphore(%run_scoped3A : memref<!tpu.dma_semaphore, #tpu.memory_space<semaphore_mem>>) src(%arg18 : memref<65x128xf32, #tpu.memory_space<vmem_shared>>) dst(%dma_wait3A_108 : memref<65x128xf32, #tpu.memory_space<hbm>>)
        tpu.yield
      }) : () -> ()
      "tpu.region"() ({
        %run_scoped3A = tpu.sem_alloc : memref<!tpu.dma_semaphore, #tpu.memory_space<semaphore_mem>>
        %dma_start3A_101 = arith.constant 0 : i32
        %dma_start3A_102 = arith.constant 0 : i32
        %dma_start3A_103 = tpu.memref_slice %arg9[%arg0, %dma_start3A_101, %dma_start3A_102] : memref<2x65x128xf32, #tpu.memory_space<hbm>> -> memref<1x65x128xf32, #tpu.memory_space<hbm>>
        %dma_start3A_104 = tpu.memref_squeeze %dma_start3A_103 : memref<1x65x128xf32, #tpu.memory_space<hbm>> -> memref<65x128xf32, #tpu.memory_space<hbm>>
        tpu.enqueue_dma source(%arg19 : memref<65x128xf32, #tpu.memory_space<vmem_shared>>) target(%dma_start3A_104 : memref<65x128xf32, #tpu.memory_space<hbm>>) target_semaphore(%run_scoped3A : memref<!tpu.dma_semaphore, #tpu.memory_space<semaphore_mem>>)
        %dma_wait3A_105 = arith.constant 0 : i32
        %dma_wait3A_106 = arith.constant 0 : i32
        %dma_wait3A_107 = tpu.memref_slice %arg9[%arg0, %dma_wait3A_105, %dma_wait3A_106] : memref<2x65x128xf32, #tpu.memory_space<hbm>> -> memref<1x65x128xf32, #tpu.memory_space<hbm>>
        %dma_wait3A_108 = tpu.memref_squeeze %dma_wait3A_107 : memref<1x65x128xf32, #tpu.memory_space<hbm>> -> memref<65x128xf32, #tpu.memory_space<hbm>>
        tpu.wait_dma2 semaphore(%run_scoped3A : memref<!tpu.dma_semaphore, #tpu.memory_space<semaphore_mem>>) src(%arg19 : memref<65x128xf32, #tpu.memory_space<vmem_shared>>) dst(%dma_wait3A_108 : memref<65x128xf32, #tpu.memory_space<hbm>>)
        tpu.yield
      }) : () -> ()
    } else {
    }
    return
  }
}

module attributes {stable_mosaic.version = 14 : i64} {
  func.func @_tc_counts_body(%arg0: memref<1250x2x128xi32, #tpu.memory_space<vmem>>, %arg1: memref<40x2x128xi32, #tpu.memory_space<vmem>>, %arg2: memref<40x2x128xi32, #tpu.memory_space<vmem>>, %arg3: memref<64x128xf32, #tpu.memory_space<vmem>>, %arg4: memref<64x128xf32, #tpu.memory_space<vmem>>) attributes {dimension_semantics = [], scalar_prefetch = 0 : i64, scratch_operands = 0 : i64, tpu.core_type = #tpu.core_type<tc>} {
    %scan3A = arith.constant 0 : i32
    %scan3A_0 = arith.constant 64 : i32
    %scan3A_1 = arith.addi %scan3A, %scan3A_0 : i32
    %scan3A_2 = arith.constant 1 : i32
    scf.for %scan3A_4 = %scan3A to %scan3A_1 step %scan3A_2  : i32 {
      %get3A = arith.constant 0 : index
      %get3A_5 = arith.constant 0 : index
      %get3A_6 = arith.constant 0 : index
      %get3A_7 = vector.load %arg0[%get3A, %get3A_5, %get3A_6] : memref<1250x2x128xi32, #tpu.memory_space<vmem>>, vector<1250x2x128xi32>
      %reshape3A = vector.shape_cast %get3A_7 : vector<1250x2x128xi32> to vector<2500x128xi32>
      %get3A_8 = arith.constant 0 : index
      %get3A_9 = arith.constant 0 : index
      %get3A_10 = arith.constant 0 : index
      %get3A_11 = vector.load %arg2[%get3A_8, %get3A_9, %get3A_10] : memref<40x2x128xi32, #tpu.memory_space<vmem>>, vector<40x2x128xi32>
      %ne3A = arith.constant 0 : i32
      %ne3A_12 = vector.broadcast %ne3A : i32 to vector<40x2x128xi32>
      %ne3A_13 = arith.cmpi ne, %get3A_11, %ne3A_12 : vector<40x2x128xi32>
      %get3A_14 = arith.constant 0 : index
      %get3A_15 = arith.constant 0 : index
      %get3A_16 = arith.constant 0 : index
      %get3A_17 = vector.load %arg1[%get3A_14, %get3A_15, %get3A_16] : memref<40x2x128xi32, #tpu.memory_space<vmem>>, vector<40x2x128xi32>
      %jit3A = arith.constant -1 : i32
      %broadcast_in_dim3A = vector.broadcast %jit3A : i32 to vector<40x2x128xi32>
      %select_n3A = arith.select %ne3A_13, %get3A_17, %broadcast_in_dim3A : vector<40x2x128xi1>, vector<40x2x128xi32>
      %reshape3A_18 = vector.shape_cast %select_n3A : vector<40x2x128xi32> to vector<80x128xi32>
      %eq3A = vector.broadcast %scan3A_4 : i32 to vector<2500x128xi32>
      %eq3A_19 = arith.cmpi eq, %reshape3A, %eq3A : vector<2500x128xi32>
      %convert_element_type3A = arith.extui %eq3A_19 : vector<2500x128xi1> to vector<2500x128xi32>
      %convert_element_type3A_20 = arith.sitofp %convert_element_type3A : vector<2500x128xi32> to vector<2500x128xf32>
      %reduce_sum3A = vector.shape_cast %convert_element_type3A_20 : vector<2500x128xf32> to vector<1x2500x128xf32>
      %reduce_sum3A_21 = arith.constant dense<0.000000e+00> : vector<1xf32>
      %reduce_sum3A_22 = vector.multi_reduction <add>, %reduce_sum3A, %reduce_sum3A_21 [1, 2] : vector<1x2500x128xf32> to vector<1xf32>
      %reduce_sum3A_23 = vector.shape_cast %reduce_sum3A_22 : vector<1xf32> to vector<1x1x1xf32>
      %reduce_sum3A_24 = vector.extract %reduce_sum3A_23[0, 0, 0] : f32 from vector<1x1x1xf32>
      %broadcast_in_dim3A_25 = vector.broadcast %reduce_sum3A_24 : f32 to vector<1x128xf32>
      %swap3A = arith.index_cast %scan3A_4 : i32 to index
      %swap3A_26 = arith.constant 0 : index
      %swap3A_27 = vector.load %arg3[%swap3A, %swap3A_26] : memref<64x128xf32, #tpu.memory_space<vmem>>, vector<1x128xf32>
      tpu.vector_store %arg3[%swap3A, %swap3A_26], %broadcast_in_dim3A_25 {strides = array<i32>} : memref<64x128xf32, #tpu.memory_space<vmem>>, vector<1x128xf32>,
      %eq3A_28 = vector.broadcast %scan3A_4 : i32 to vector<80x128xi32>
      %eq3A_29 = arith.cmpi eq, %reshape3A_18, %eq3A_28 : vector<80x128xi32>
      %convert_element_type3A_30 = arith.extui %eq3A_29 : vector<80x128xi1> to vector<80x128xi32>
      %convert_element_type3A_31 = arith.sitofp %convert_element_type3A_30 : vector<80x128xi32> to vector<80x128xf32>
      %reduce_sum3A_32 = vector.shape_cast %convert_element_type3A_31 : vector<80x128xf32> to vector<1x80x128xf32>
      %reduce_sum3A_33 = arith.constant dense<0.000000e+00> : vector<1xf32>
      %reduce_sum3A_34 = vector.multi_reduction <add>, %reduce_sum3A_32, %reduce_sum3A_33 [1, 2] : vector<1x80x128xf32> to vector<1xf32>
      %reduce_sum3A_35 = vector.shape_cast %reduce_sum3A_34 : vector<1xf32> to vector<1x1x1xf32>
      %reduce_sum3A_36 = vector.extract %reduce_sum3A_35[0, 0, 0] : f32 from vector<1x1x1xf32>
      %broadcast_in_dim3A_37 = vector.broadcast %reduce_sum3A_36 : f32 to vector<1x128xf32>
      %swap3A_38 = arith.index_cast %scan3A_4 : i32 to index
      %swap3A_39 = arith.constant 0 : index
      %swap3A_40 = vector.load %arg4[%swap3A_38, %swap3A_39] : memref<64x128xf32, #tpu.memory_space<vmem>>, vector<1x128xf32>
      tpu.vector_store %arg4[%swap3A_38, %swap3A_39], %broadcast_in_dim3A_37 {strides = array<i32>} : memref<64x128xf32, #tpu.memory_space<vmem>>, vector<1x128xf32>,
    }
    %scan3A_3 = arith.constant 64 : i32
    return
  }
}

module attributes {stable_mosaic.version = 14 : i64} {
  func.func @_tc_body(%arg0: memref<64x128xf32, #tpu.memory_space<vmem>>, %arg1: memref<2x65x128xf32, #tpu.memory_space<vmem>>, %arg2: memref<2x65x128xf32, #tpu.memory_space<vmem>>, %arg3: memref<64x128xf32, #tpu.memory_space<vmem>>, %arg4: memref<64x128xf32, #tpu.memory_space<vmem>>, %arg5: memref<384x256xf32, #tpu.memory_space<vmem>>, %arg6: memref<1x256xf32, #tpu.memory_space<vmem>>, %arg7: memref<256x128xf32, #tpu.memory_space<vmem>>, %arg8: memref<1x128xf32, #tpu.memory_space<vmem>>, %arg9: memref<1x128xf32, #tpu.memory_space<vmem>>, %arg10: memref<1x128xf32, #tpu.memory_space<vmem>>, %arg11: memref<64x128xf32, #tpu.memory_space<vmem>>) attributes {dimension_semantics = [], scalar_prefetch = 0 : i64, scratch_operands = 0 : i64, tpu.core_type = #tpu.core_type<tc>} {
    %get3A = arith.constant 0 : index
    %get3A_0 = arith.constant 0 : index
    %get3A_1 = arith.constant 0 : index
    %get3A_2 = vector.load %arg1[%get3A, %get3A_0, %get3A_1] : memref<2x65x128xf32, #tpu.memory_space<vmem>>, vector<1x65x128xf32>
    %get3A_3 = vector.shape_cast %get3A_2 : vector<1x65x128xf32> to vector<65x128xf32>
    %get3A_4 = arith.constant 1 : index
    %get3A_5 = arith.constant 0 : index
    %get3A_6 = arith.constant 0 : index
    %get3A_7 = vector.load %arg1[%get3A_4, %get3A_5, %get3A_6] : memref<2x65x128xf32, #tpu.memory_space<vmem>>, vector<1x65x128xf32>
    %get3A_8 = vector.shape_cast %get3A_7 : vector<1x65x128xf32> to vector<65x128xf32>
    %add3A = arith.addf %get3A_3, %get3A_8 : vector<65x128xf32>
    %slice3A = vector.extract_strided_slice %add3A {offsets = [0, 0], sizes = [64, 128], strides = [1, 1]} : vector<65x128xf32> to vector<64x128xf32>
    %get3A_9 = arith.constant 0 : index
    %get3A_10 = arith.constant 0 : index
    %get3A_11 = arith.constant 0 : index
    %get3A_12 = vector.load %arg2[%get3A_9, %get3A_10, %get3A_11] : memref<2x65x128xf32, #tpu.memory_space<vmem>>, vector<1x65x128xf32>
    %get3A_13 = vector.shape_cast %get3A_12 : vector<1x65x128xf32> to vector<65x128xf32>
    %get3A_14 = arith.constant 1 : index
    %get3A_15 = arith.constant 0 : index
    %get3A_16 = arith.constant 0 : index
    %get3A_17 = vector.load %arg2[%get3A_14, %get3A_15, %get3A_16] : memref<2x65x128xf32, #tpu.memory_space<vmem>>, vector<1x65x128xf32>
    %get3A_18 = vector.shape_cast %get3A_17 : vector<1x65x128xf32> to vector<65x128xf32>
    %add3A_19 = arith.addf %get3A_13, %get3A_18 : vector<65x128xf32>
    %slice3A_20 = vector.extract_strided_slice %add3A_19 {offsets = [0, 0], sizes = [64, 128], strides = [1, 1]} : vector<65x128xf32> to vector<64x128xf32>
    %get3A_21 = arith.constant 0 : index
    %get3A_22 = arith.constant 0 : index
    %get3A_23 = vector.load %arg3[%get3A_21, %get3A_22] : memref<64x128xf32, #tpu.memory_space<vmem>>, vector<64x128xf32>
    %reduce_max3A = arith.constant dense<0xFF800000> : vector<64xf32>
    %reduce_max3A_24 = vector.multi_reduction <maximumf>, %get3A_23, %reduce_max3A [1] : vector<64x128xf32> to vector<64xf32>
    %broadcast_in_dim3A = vector.shape_cast %reduce_max3A_24 : vector<64xf32> to vector<64x1xf32>
    %get3A_25 = arith.constant 0 : index
    %get3A_26 = arith.constant 0 : index
    %get3A_27 = vector.load %arg4[%get3A_25, %get3A_26] : memref<64x128xf32, #tpu.memory_space<vmem>>, vector<64x128xf32>
    %reduce_max3A_28 = arith.constant dense<0xFF800000> : vector<64xf32>
    %reduce_max3A_29 = vector.multi_reduction <maximumf>, %get3A_27, %reduce_max3A_28 [1] : vector<64x128xf32> to vector<64xf32>
    %broadcast_in_dim3A_30 = vector.shape_cast %reduce_max3A_29 : vector<64xf32> to vector<64x1xf32>
    %max3A = arith.constant 1.000000e+00 : f32
    %max3A_31 = vector.broadcast %max3A : f32 to vector<64x1xf32>
    %max3A_32 = arith.maximumf %broadcast_in_dim3A, %max3A_31 : vector<64x1xf32>
    %div3A = vector.broadcast %max3A_32 : vector<64x1xf32> to vector<64x128xf32>
    %div3A_33 = arith.divf %slice3A, %div3A : vector<64x128xf32>
    %max3A_34 = arith.constant 1.000000e+00 : f32
    %max3A_35 = vector.broadcast %max3A_34 : f32 to vector<64x1xf32>
    %max3A_36 = arith.maximumf %broadcast_in_dim3A_30, %max3A_35 : vector<64x1xf32>
    %div3A_37 = vector.broadcast %max3A_36 : vector<64x1xf32> to vector<64x128xf32>
    %div3A_38 = arith.divf %slice3A_20, %div3A_37 : vector<64x128xf32>
    %get3A_39 = arith.constant 0 : index
    %get3A_40 = arith.constant 0 : index
    %get3A_41 = vector.load %arg0[%get3A_39, %get3A_40] : memref<64x128xf32, #tpu.memory_space<vmem>>, vector<64x128xf32>
    %get3A_42 = arith.constant 0 : index
    %get3A_43 = arith.constant 0 : index
    %get3A_44 = vector.load %arg5[%get3A_42, %get3A_43] : memref<384x256xf32, #tpu.memory_space<vmem>>, vector<128x256xf32>
    %dot_general3A = arith.constant dense<0.000000e+00> : vector<64x256xf32>
    %dot_general3A_45 = tpu.matmul %get3A_41, %get3A_44, %dot_general3A {dimension_numbers = #tpu.dot_dimension_numbers<[1], [0], [0], [1], [0, 0, 1, 1], [], []>, precision = #tpu.contract_precision<fp32>, transpose_lhs_hint = false} : vector<64x128xf32>, vector<128x256xf32>, vector<64x256xf32> -> vector<64x256xf32>
    %get3A_46 = arith.constant 128 : index
    %get3A_47 = arith.constant 0 : index
    %get3A_48 = vector.load %arg5[%get3A_46, %get3A_47] : memref<384x256xf32, #tpu.memory_space<vmem>>, vector<128x256xf32>
    %dot_general3A_49 = arith.constant dense<0.000000e+00> : vector<64x256xf32>
    %dot_general3A_50 = tpu.matmul %div3A_33, %get3A_48, %dot_general3A_49 {dimension_numbers = #tpu.dot_dimension_numbers<[1], [0], [0], [1], [0, 0, 1, 1], [], []>, precision = #tpu.contract_precision<fp32>, transpose_lhs_hint = false} : vector<64x128xf32>, vector<128x256xf32>, vector<64x256xf32> -> vector<64x256xf32>
    %add3A_51 = arith.addf %dot_general3A_45, %dot_general3A_50 : vector<64x256xf32>
    %get3A_52 = arith.constant 256 : index
    %get3A_53 = arith.constant 0 : index
    %get3A_54 = vector.load %arg5[%get3A_52, %get3A_53] : memref<384x256xf32, #tpu.memory_space<vmem>>, vector<128x256xf32>
    %dot_general3A_55 = arith.constant dense<0.000000e+00> : vector<64x256xf32>
    %dot_general3A_56 = tpu.matmul %div3A_38, %get3A_54, %dot_general3A_55 {dimension_numbers = #tpu.dot_dimension_numbers<[1], [0], [0], [1], [0, 0, 1, 1], [], []>, precision = #tpu.contract_precision<fp32>, transpose_lhs_hint = false} : vector<64x128xf32>, vector<128x256xf32>, vector<64x256xf32> -> vector<64x256xf32>
    %add3A_57 = arith.addf %add3A_51, %dot_general3A_56 : vector<64x256xf32>
    %get3A_58 = arith.constant 0 : index
    %get3A_59 = arith.constant 0 : index
    %get3A_60 = vector.load %arg6[%get3A_58, %get3A_59] : memref<1x256xf32, #tpu.memory_space<vmem>>, vector<1x256xf32>
    %add3A_61 = vector.broadcast %get3A_60 : vector<1x256xf32> to vector<64x256xf32>
    %add3A_62 = arith.addf %add3A_57, %add3A_61 : vector<64x256xf32>
    %max3A_63 = arith.constant 0.000000e+00 : f32
    %max3A_64 = vector.broadcast %max3A_63 : f32 to vector<64x256xf32>
    %max3A_65 = arith.maximumf %add3A_62, %max3A_64 : vector<64x256xf32>
    %get3A_66 = arith.constant 0 : index
    %get3A_67 = arith.constant 0 : index
    %get3A_68 = vector.load %arg7[%get3A_66, %get3A_67] : memref<256x128xf32, #tpu.memory_space<vmem>>, vector<256x128xf32>
    %dot_general3A_69 = arith.constant dense<0.000000e+00> : vector<64x128xf32>
    %dot_general3A_70 = tpu.matmul %max3A_65, %get3A_68, %dot_general3A_69 {dimension_numbers = #tpu.dot_dimension_numbers<[1], [0], [0], [1], [0, 0, 1, 1], [], []>, precision = #tpu.contract_precision<fp32>, transpose_lhs_hint = false} : vector<64x256xf32>, vector<256x128xf32>, vector<64x128xf32> -> vector<64x128xf32>
    %get3A_71 = arith.constant 0 : index
    %get3A_72 = arith.constant 0 : index
    %get3A_73 = vector.load %arg8[%get3A_71, %get3A_72] : memref<1x128xf32, #tpu.memory_space<vmem>>, vector<1x128xf32>
    %add3A_74 = vector.broadcast %get3A_73 : vector<1x128xf32> to vector<64x128xf32>
    %add3A_75 = arith.addf %dot_general3A_70, %add3A_74 : vector<64x128xf32>
    %reduce_sum3A = arith.constant dense<0.000000e+00> : vector<64xf32>
    %reduce_sum3A_76 = vector.multi_reduction <add>, %add3A_75, %reduce_sum3A [1] : vector<64x128xf32> to vector<64xf32>
    %broadcast_in_dim3A_77 = vector.shape_cast %reduce_sum3A_76 : vector<64xf32> to vector<64x1xf32>
    %div3A_78 = arith.constant 1.280000e+02 : f32
    %div3A_79 = vector.broadcast %div3A_78 : f32 to vector<64x1xf32>
    %div3A_80 = arith.divf %broadcast_in_dim3A_77, %div3A_79 : vector<64x1xf32>
    %sub3A = vector.broadcast %div3A_80 : vector<64x1xf32> to vector<64x128xf32>
    %sub3A_81 = arith.subf %add3A_75, %sub3A : vector<64x128xf32>
    %sub3A_82 = vector.broadcast %div3A_80 : vector<64x1xf32> to vector<64x128xf32>
    %sub3A_83 = arith.subf %add3A_75, %sub3A_82 : vector<64x128xf32>
    %mul3A = arith.mulf %sub3A_81, %sub3A_83 : vector<64x128xf32>
    %reduce_sum3A_84 = arith.constant dense<0.000000e+00> : vector<64xf32>
    %reduce_sum3A_85 = vector.multi_reduction <add>, %mul3A, %reduce_sum3A_84 [1] : vector<64x128xf32> to vector<64xf32>
    %broadcast_in_dim3A_86 = vector.shape_cast %reduce_sum3A_85 : vector<64xf32> to vector<64x1xf32>
    %div3A_87 = arith.constant 1.280000e+02 : f32
    %div3A_88 = vector.broadcast %div3A_87 : f32 to vector<64x1xf32>
    %div3A_89 = arith.divf %broadcast_in_dim3A_86, %div3A_88 : vector<64x1xf32>
    %sub3A_90 = vector.broadcast %div3A_80 : vector<64x1xf32> to vector<64x128xf32>
    %sub3A_91 = arith.subf %add3A_75, %sub3A_90 : vector<64x128xf32>
    %add3A_92 = arith.constant 9.99999974E-6 : f32
    %add3A_93 = vector.broadcast %add3A_92 : f32 to vector<64x1xf32>
    %add3A_94 = arith.addf %div3A_89, %add3A_93 : vector<64x1xf32>
    %rsqrt3A = math.rsqrt %add3A_94 : vector<64x1xf32>
    %mul3A_95 = vector.broadcast %rsqrt3A : vector<64x1xf32> to vector<64x128xf32>
    %mul3A_96 = arith.mulf %sub3A_91, %mul3A_95 : vector<64x128xf32>
    %get3A_97 = arith.constant 0 : index
    %get3A_98 = arith.constant 0 : index
    %get3A_99 = vector.load %arg9[%get3A_97, %get3A_98] : memref<1x128xf32, #tpu.memory_space<vmem>>, vector<1x128xf32>
    %mul3A_100 = vector.broadcast %get3A_99 : vector<1x128xf32> to vector<64x128xf32>
    %mul3A_101 = arith.mulf %mul3A_96, %mul3A_100 : vector<64x128xf32>
    %get3A_102 = arith.constant 0 : index
    %get3A_103 = arith.constant 0 : index
    %get3A_104 = vector.load %arg10[%get3A_102, %get3A_103] : memref<1x128xf32, #tpu.memory_space<vmem>>, vector<1x128xf32>
    %add3A_105 = vector.broadcast %get3A_104 : vector<1x128xf32> to vector<64x128xf32>
    %add3A_106 = arith.addf %mul3A_101, %add3A_105 : vector<64x128xf32>
    %swap3A = arith.constant 0 : index
    %swap3A_107 = arith.constant 0 : index
    %swap3A_108 = vector.load %arg11[%swap3A, %swap3A_107] : memref<64x128xf32, #tpu.memory_space<vmem>>, vector<64x128xf32>
    tpu.vector_store %arg11[%swap3A, %swap3A_107], %add3A_106 {strides = array<i32>} : memref<64x128xf32, #tpu.memory_space<vmem>>, vector<64x128xf32>,
    return
  }
}

</mosaic_0001>

<sc_bundles>
// kernel: kernel.5.cloned.1.call-start
scs
__scs_entry_jumppad:
0x0: {  	(pc) =	sbr.rel $0x88, $3  }
0x1: {  	(tag) =	ssettag $0x0;
	lr =	simm.s32 $0x1  }
0x2: {  	[smem:$0x3F95] =	sst lr;
	_ =	strace $0xD0000000  }
0x3: {  	_ = 	snop  }
0x4: {  	_ = 	snop  }
0x5: {  	_ = 	snop  }
0x6: {  	_ = 	snop  }
0x7: {  	_ = 	snop  }
__scs_overlays_trampoline_lowered:
0x8: {  	[smem:$0x3FA4] =	sst s0  }
0x9: {  	[smem:$0x3FA5] =	sst s1  }
0xa: {  	[smem:$0x3FA6] =	sst s2  }
0xb: {  	[smem:$0x3FA7] =	sst s3  }
0xc: {  	[smem:$0x3FA8] =	sst s4  }
0xd: {  	[smem:$0x3FA9] =	sst s5  }
0xe: {  	[smem:$0x3FAA] =	sst s6  }
0xf: {  	[smem:$0x3FAB] =	sst s7  }
0x10: {  	[smem:$0x3FAC] =	sst s8  }
0x11: {  	[smem:$0x3FAD] =	sst s9;
	s0 =	simm.s32 @!p0 $0x0  }
0x12: {  	s1 =	sld [smem:$0x3F93];
	s0 =	simm.s32 @p0 $0x1  }
0x13: {  	[smem:$0x3FAE] =	sst s0;
	s0 =	simm.s32 @!p1 $0x0  }
0x14: {  	s2 =	sld [smem:$0x3F92];
	s0 =	simm.s32 @p1 $0x1  }
0x15: {  	[smem:$0x3FAF] =	sst s0;
	s0 =	simm.s32 @!p2 $0x0  }
0x16: {  	s3 =	sld [smem:$0x3FDB];
	s0 =	simm.s32 @p2 $0x1  }
0x17: {  	s4 =	simm.s32 $0x1BF5;
	[smem:$0x3FB1] =	sst s0  }
0x18: {  	s0 =	sld [smem:$0x3F94];
	_ =	swait.ge [sflag:s4], $0x0  }
0x19: {  	s7 =	sld [smem:$0x3F95]  }
0x1a: {  	s8 =	sadd.s32 $0xFFFFE003, lr  }
0x1b: {  	s9 =	sadd.s32 $0xFFFFFEF7, lr;
	s5 =	simm.s32 $0xFFFFFFFF;
	p2 =	slt.u32 s8, $0xFFFFF086  }
0x1c: {  	p1 =	slt.u32 s9, $0xF7A;
	s5 =	simm.s32 @!p2 $0x0  }
0x1d: {  	s5 =	simm.s32 @p1 $0x1;
	p0 =	seq.s32 s7, s2  }
0x1e: {  	s7 =	smul.u32 @!p0 $0xF7A, s2;
	p2 =	seq.s32 @!p0 s5, $0x0  }
0x1f: {  	s9 =	smul.u32 $0xF7A, s1;
	s8 =	simm.s32 @!p0 $0x1BF5;
	p2 =	por !p2, p0  }
0x20: {  	[sflag:s8] =	ssyncset.s32 @!p0 $0xFFFFF086;
	s6 =	sadd.s32 @!p0 s3, s7;
	s7 =	simm.s32 @!p0 $0x108  }
0x21: {  	s3 =	sadd.s32 s3, s9;
	s6 =	sadd.s32 @!p0 $0x88, s6;
	s7 =	simm.s32 @p2 $0x1082  }
0x22: {  	[simem:s7], [sflag:s8] =	dma.local @!p0 [hbm:s6], $0xF7A  }
0x23: {  	s9 =	sor.u32 $0xD0000000, s2;
	s6 =	simm.s32 $0x108;
	_ =	swait.ge @!p0 [sflag:s8], $0x0  }
0x24: {  	s3 =	sadd.s32 $0x88, s3;
	s6 =	simm.s32 @!p1 $0x1082;
	[sflag:s4] =	ssyncset.s32 $0xFFFFF086  }
0x25: {  	[simem:s6], [sflag:s4] =	dma.local [hbm:s3], $0xF7A  }
0x26: {  	[smem:$0x3F95] =	sst s1;
	(tag) =	ssettag s2;
	_ =	strace s9  }
0x27: {  	s1 =	sld [smem:$0x3FA5]  }
0x28: {  	s2 =	sld [smem:$0x3FA6]  }
0x29: {  	s4 =	sld [smem:$0x3FA8]  }
0x2a: {  	p0 =	seq.s32 s5, $0x0;
	s5 =	sld [smem:$0x3FA9]  }
0x2b: {  	s6 =	sld [smem:$0x3FAA]  }
0x2c: {  	s7 =	sld [smem:$0x3FAB]  }
0x2d: {  	s3 =	simm.s32 $0x108;
	s8 =	sld [smem:$0x3FAC]  }
0x2e: {  	s3 =	simm.s32 @!p0 $0x1082;
	s9 =	sld [smem:$0x3FAD]  }
0x2f: {  	lr =	sadd.s32 s0, s3;
	s0 =	sld [smem:$0x3FA4]  }
0x30: {  	s3 =	sld [smem:$0x3FA7]  }
0x31: {  	[smem:$0x3FB0] =	sst s10  }
0x32: {  	s10 =	sld [smem:$0x3FAE];
	_ =	sdelay $0x3  }
0x33: {  	p0 =	seq.s32 s10, $0x1;
	s10 =	sld [smem:$0x3FB0];
	_ =	sdelay $0x3  }
0x34: {  	[smem:$0x3FB0] =	sst s10  }
0x35: {  	s10 =	sld [smem:$0x3FAF];
	_ =	sdelay $0x3  }
0x36: {  	p1 =	seq.s32 s10, $0x1;
	s10 =	sld [smem:$0x3FB0];
	_ =	sdelay $0x3  }
0x37: {  	[smem:$0x3FB0] =	sst s10  }
0x38: {  	s10 =	sld [smem:$0x3FB1]  }
0x39: {  	_ = 	snop;
	(pc) =	sbr.ind lr, $3  }
0x3a: {  	_ = 	snop  }
0x3b: {  	_ = 	snop  }
0x3c: {  	p2 =	seq.s32 s10, $0x1;
	s10 =	sld [smem:$0x3FB0]  }
0x3d: {  	_ =	shalt  }
0x3e: {  	_ =	shalt  }
0x3f: {  	_ =	shalt  }
0x40: {  	_ =	shalt  }
0x41: {  	_ =	shalt  }
0x42: {  	_ =	shalt  }
0x43: {  	_ =	shalt  }
0x44: {  	_ =	shalt  }
0x45: {  	_ =	shalt  }
0x46: {  	_ =	shalt  }
0x47: {  	_ =	shalt  }
0x48: {  	_ =	shalt  }
0x49: {  	_ =	shalt  }
0x4a: {  	_ =	shalt  }
0x4b: {  	_ =	shalt  }
0x4c: {  	_ =	shalt  }
0x4d: {  	_ =	shalt  }
0x4e: {  	_ =	shalt  }
0x4f: {  	_ =	shalt  }
0x50: {  	_ =	shalt  }
0x51: {  	_ =	shalt  }
0x52: {  	_ =	shalt  }
0x53: {  	_ =	shalt  }
0x54: {  	_ =	shalt  }
0x55: {  	_ =	shalt  }
0x56: {  	_ =	shalt  }
0x57: {  	_ =	shalt  }
0x58: {  	_ =	shalt  }
0x59: {  	_ =	shalt  }
0x5a: {  	_ =	shalt  }
0x5b: {  	_ =	shalt  }
0x5c: {  	_ =	shalt  }
0x5d: {  	_ =	shalt  }
0x5e: {  	_ =	shalt  }
0x5f: {  	_ =	shalt  }
0x60: {  	_ =	shalt  }
0x61: {  	_ =	shalt  }
0x62: {  	_ =	shalt  }
0x63: {  	_ =	shalt  }
0x64: {  	_ =	shalt  }
0x65: {  	_ =	shalt  }
0x66: {  	_ =	shalt  }
0x67: {  	_ =	shalt  }
0x68: {  	_ =	shalt  }
0x69: {  	_ =	shalt  }
0x6a: {  	_ =	shalt  }
0x6b: {  	_ =	shalt  }
0x6c: {  	_ =	shalt  }
0x6d: {  	_ =	shalt  }
0x6e: {  	_ =	shalt  }
0x6f: {  	_ =	shalt  }
0x70: {  	_ =	shalt  }
0x71: {  	_ =	shalt  }
0x72: {  	_ =	shalt  }
0x73: {  	_ =	shalt  }
0x74: {  	_ =	shalt  }
0x75: {  	_ =	shalt  }
0x76: {  	_ =	shalt  }
0x77: {  	_ =	shalt  }
0x78: {  	_ =	shalt  }
0x79: {  	_ =	shalt  }
0x7a: {  	_ =	shalt  }
0x7b: {  	_ =	shalt  }
0x7c: {  	_ =	shalt  }
0x7d: {  	_ =	shalt  }
0x7e: {  	_ =	shalt  }
0x7f: {  	_ =	shalt  }
0x80: {  	_ =	shalt  }
0x81: {  	_ =	shalt  }
0x82: {  	_ =	shalt  }
0x83: {  	_ =	shalt  }
0x84: {  	_ =	shalt  }
0x85: {  	_ =	shalt  }
0x86: {  	_ =	shalt  }
0x87: {  	_ =	shalt  }
.Lfunc_end0:
.L_simem_size_0:
called_computation_lowered:
.L_overlay_start_0:
0x88: {  	s2 =	sld [smem:$0x3FD9]  }
0x89: {  	s3 =	sld [smem:$0x3FFE];
	_ =	sdelay $0x1  }
0x8a: {  	s1 =	srdreg.scid  }
0x8b: {  	s0 =	sand.u32 $0x1, s1  }
0x8c: {  	s17 =	sshll.u32 s0, $0xA;
	s2 =	sadd.s32 s3, s2  }
0x8d: {  	s2 =	sadd.s32 s2, s17  }
0x8e: {  	[smem:$0x3FBC] =	sst s2  }
0x8f: {  	_ = 	snop  }
0x90: {  	s2 =	sld [smem:$0x3FC8];
	(tm) =	ssettm $0x1  }
0x91: {  	s18 =	sld [smem:$0x3FFB];
	_ =	sdelay $0x3  }
0x92: {  	_ =	strace s18  }
0x93: {  	s3 =	sld [smem:$0x3FFC];
	_ =	sdelay $0x3  }
0x94: {  	_ =	strace s3  }
0x95: {  	s3 =	sld [smem:$0x3FFD];
	_ =	sdelay $0x3  }
0x96: {  	_ =	strace s3  }
0x97: {  	_ =	strace $0x8FFFFFFF  }
0x98: {  	s19 =	sld [smem:$0x3FDB];
	_ =	sdelay $0x1  }
0x99: {  	s4 =	simm.s32 $_scs_section_size  }
0x9a: {  	s5 =	simm.s32 $_size__tile_overlayer_lowered;
	s6 =	simm.s32 $_tile_overlayer_lowered  }
0x9b: {  	s22 =	simm.s32 $0x1BFF;
	s21 =	sshll.u32 s6, $0x1;
	s3 =	sadd.s32 s4, s19  }
0x9c: {  	s7 =	simm.s32 $0x0;
	s20 =	sshll.u32 s5, $0x1;
	s5 =	sadd.s32 s21, s3  }
0x9d: {  	[timem:s7], [sflag:s22] =	dma.local [hbm:s5], s20  }
0x9e: {  	_ =	swait.ge [sflag:s22], s20  }
0x9f: {  	s4 =	ssub.s32 $0x0, s20;
	[sflag:s22] =	ssyncset.done $0x0  }
0xa0: {  	[sflag:s22] =	ssyncadd.s32 s4;
	_ =	sdelay $0x1  }
0xa1: {  	s23 =	simm.s32 $0x1B8B  }
0xa2: {  	_ =	swait.ge [sflag:s23], $0x1  }
0xa3: {  	[sflag:s23] =	ssyncset.done $0x0  }
0xa4: {  	s25 =	simm.s32 $0x1B8E;
	s24 =	sld [smem:$0x3FFE];
	[sflag:s23] =	ssyncadd.s32 $0xFFFFFFFF  }
0xa5: {  	s26 =	simm.s32 $execute0_lowered;
	[smem:$0x3FD2] =	sst s25  }
0xa6: {  	s5 =	sshll.u32 s26, $0x1;
	_ =	strace $0x80000046;
	[dreg:$0x1] =	wrdreg $0xFFFFFFFF  }
0xa7: {  	s28 =	simm.s32 $_size_execute0_lowered;
	s3 =	sadd.s32 s3, s5;
	[dreg:$0x0] =	wrdreg $0x0  }
0xa8: {  	s5 =	sshll.u32 s28, $0x1;
	[dreg:$0x2] =	wrdreg s3  }
0xa9: {  	[dreg:$0x3] =	wrdreg s5  }
0xaa: {  	[dreg:$0x4] =	wrdreg $0xC0  }
0xab: {  	_ =	task [dreg:s7], $0x5FFFF  }
0xac: {  	[dreg:$0x1] =	wrdreg $0xFFFFFFFF  }
0xad: {  	[dreg:$0x0] =	wrdreg $0x60  }
0xae: {  	[dreg:$0x2] =	wrdreg s2  }
0xaf: {  	[dreg:$0x3] =	wrdreg s24  }
0xb0: {  	[dreg:$0x4] =	wrdreg $0x185000  }
0xb1: {  	[dreg:$0x5] =	wrdreg $0x187080  }
0xb2: {  	[dreg:$0x6] =	wrdreg $0x9  }
0xb3: {  	_ =	task.clear_ibuf [dreg:s7], $0x7FFFF;
	_ =	strace $0x90000046  }
0xb4: {  	s29 =	simm.s32 $0x9;
	_ =	strace $0x80000048  }
0xb5: {  	_ =	swait.ge [sflag:s29], $0x1  }
0xb6: {  	[sflag:s29] =	ssyncadd.s32 $0xFFFFFFFF  }
0xb7: {  	_ =	strace $0x90000048  }
0xb8: {  	_ =	sfence  }
0xb9: {  	s30 =	sld [smem:$0x0];
	_ =	sdelay $0x2  }
0xba: {  	s31 =	sshll.u32 s1, $0xD;
	s1 =	sshrl.u32 s1, $0x2  }
0xbb: {  	s3 =	sand.u32 $0x4000, s31;
	s1 =	sadd.s32 s1, s30  }
0xbc: {  	s0 =	sor.u32 s3, s0;
	s1 =	sshll.u32 s1, $0x11  }
0xbd: {  	s0 =	sor.u32 s1, s0  }
0xbe: {  	s0 =	sadd.s32 $0x8F2B, s0  }
0xbf: {  	[sflag:s0] =	ssyncadd.remote.s32 $0x1  }
0xc0: {  	_ =	sfence.sel $0xFFFF  }
0xc1: {  	[dreg:$0x0] =	wrdreg $0xFFFFFFFF;
	(pc) =	sbr.abs _section_cstart, $3  }
0xc2: {  	[dreg:$0x1] =	wrdreg $0xFFFFFFFF  }
0xc3: {  	_ =	task.clear_ibuf [dreg:s7], $0x2FFFF;
	_ =	strace $0x9FFFFFFF  }
0xc4: {  	(tm) =	ssettm $0x7FFFFFFF  }
0xc5: {  	_ =	shalt  }
tec
execute0_lowered:
.L_overlay_start_1:
0x0: {  	(tag) =	ssettag $0x1  }
0x1: {  	s0 =	rddreg [dreg:$0x0]  }
0x2: {  	s6 =	rddreg [dreg:$0x1]  }
0x3: {  	s1 =	rddreg [dreg:$0x2]  }
0x4: {  	s2 =	rddreg [dreg:$0x3];
	s3 =	simm.s32 $0x0;
	s8 =	stileid.u32  }
0x5: {  	s4 =	srdreg.scid;
	s28 =	simm.s32 $0x18100;
	s29 =	simm.s32 $0x1  }
0x6: {  	s30 =	simm.s32 $0x4;
	s31 =	simm.s32 $0x10000;
	[smem:$0x7FF] =	sst s3  }
0x7: {  	s7 =	sadd.s32 $0x2200, s6;
	s5 =	sshll.u32 s8, $0xD;
	s9 =	sand.u32 $0x1, s4  }
0x8: {  	s17 =	sshll.u32 s8, $0x1;
	s4 =	sadd.s32 $0xC600, s6;
	s14 =	sadd.s32 $0x34C00, s6  }
0x9: {  	s24 =	smul.u32 $0x4E, s8;
	p0 =	sne.s32 s8, $0x0;
	_ =	strace $0x80000047  }
0xa: {  	s10 =	sadd.s32 s5, s6;
	s11 =	smul.u32 $0x480, s9;
	s12 =	sor.u32 s9, s17  }
0xb: {  	s5 =	sadd.s32 $0xC000, s6;
	s18 =	ssub.s32 $0x2, s9;
	s13 =	smul.u32 $0x27000, s12  }
0xc: {  	[dreg:$0x5] =	wrdreg s14;
	s15 =	smul.u32 $0x2700, s12;
	s19 =	sshrl.u32 s18, $0x1  }
0xd: {  	s16 =	smul.u32 $0x4E0, s12;
	s6 =	sadd.s32 s11, s6;
	s11 =	ssub.s32 s18, s19  }
0xe: {  	s18 =	smul.u32 $0x27, s9;
	s13 =	sadd.s32 s0, s13;
	s20 =	sadd.s32 $0x100, s15  }
0xf: {  	s21 =	sadd.s32 s7, s16;
	s15 =	sshll.u32 s9, $0x8;
	[dreg:$0x6] =	wrdreg s13  }
0x10: {  	s11 =	smax.u32 s11, $0x1;
	[dreg:$0x7] =	wrdreg s21;
	s22 =	sshll.u32 s20, $0x4  }
0x11: {  	s23 =	sor.u32 $0x4E000, s15;
	s13 =	sshrl.u32 s20, $0x3;
	[dreg:$0xe] =	wrdreg s11  }
0x12: {  	s20 =	sshll.u32 s9, $0xC;
	s11 =	simm.s32 $0x5;
	s14 =	sadd.s32 s0, s22  }
0x13: {  	s17 =	sshll.u32 s23, $0x4;
	s13 =	sadd.s32 s7, s13;
	s26 =	sshrl.u32 s23, $0x3  }
0x14: {  	s22 =	sshll.u32 s8, $0x9;
	s8 =	simm.s32 $0x18080;
	[dreg:$0x8] =	wrdreg s14  }
0x15: {  	[dreg:$0x9] =	wrdreg s13;
	s25 =	sadd.s32 s0, s17;
	s13 =	sadd.s32 s7, s26  }
0x16: {  	s14 =	sadd.s32 $0x35200, s6;
	s17 =	sadd.s32 s18, s24;
	[dreg:$0xa] =	wrdreg s25  }
0x17: {  	s6 =	sadd.s32 $0x35C00, s6;
	s9 =	sor.u32 s15, s22;
	[dreg:$0xb] =	wrdreg s13  }
0x18: {  	s24 =	ssub.s32 $0x47, s12;
	s12 =	simm.s32 $0x7;
	[dreg:$0xc] =	wrdreg s14  }
0x19: {  	[dreg:$0xd] =	wrdreg s6;
	s18 =	sshll.u32 s17, $0x5;
	s13 =	sshll.u32 s17, $0xC  }
0x1a: {  	[dreg:$0x12] =	wrdreg s9;
	s25 =	sshrl.u32 s24, $0x5;
	s6 =	sadd.s32 s18, s7  }
0x1b: {  	s0 =	sadd.s32 s13, s0;
	[dreg:$0x16] =	wrdreg s25;
	s7 =	sadd.s32 $0x80, s6  }
0x1c: {  	s15 =	simm.s32 $0x3;
	s19 =	sadd.s32 $0x4000, s0;
	[dreg:$0xf] =	wrdreg s7  }
0x1d: {  	s9 =	simm.s32 $0x4000;
	s21 =	sadd.s32 $0x60, s6;
	[dreg:$0x10] =	wrdreg s19  }
0x1e: {  	s17 =	simm.s32 $0x6;
	s23 =	sadd.s32 $0x3000, s0;
	[dreg:$0x11] =	wrdreg s21  }
0x1f: {  	s24 =	simm.s32 $0x18300;
	s6 =	sadd.s32 $0x40, s6;
	[dreg:$0x13] =	wrdreg s23  }
0x20: {  	s25 =	simm.s32 $0x18000;
	s0 =	sadd.s32 $0x2000, s0;
	[dreg:$0x14] =	wrdreg s6  }
0x21: {  	s13 =	simm.s32 $0x0;
	s7 =	sadd.s32 s20, s10;
	[dreg:$0x15] =	wrdreg s0  }
0x22: {  	s0 =	simm.s32 $0x18200;
	s10 =	simm.s32 $0x2;
	s20 =	simm.s32 $0x8  }
0x23: {  	s23 =	simm.s32 $0xA;
	s19 =	simm.s32 $0x18400;
	s26 =	sadd.s32 $0xCC00, s7  }
0x24: {  	s7 =	simm.s32 $0x80;
	[dreg:$0x17] =	wrdreg s26;
	s26 =	simm.s32 $0x8000  }
.LBB2_1:
0x25: {  	[dreg:$0x18] =	wrdreg s13  }
0x26: {  	s13 =	sshrl.u32 @!p0 s1, $0x3;
	s14 =	rddreg [dreg:$0x5]  }
0x27: {  	s6 =	simm.s32 @!p0 $0x1C0A;
	[dreg:$0x19] =	wrdreg s13  }
0x28: {  	[spmem:s13], [sflag:s6] =	dma.local @!p0 [hbm:s14], $0x410  }
0x29: {  	s13 =	simm.s32 @!p0 $0xA  }
0x2a: {  	_ =	swait.ge @!p0 [sflag:s13], $0x410  }
0x2b: {  	s16 =	sshrl.u32 @!p0 s2, $0x3;
	[sflag:s13] =	ssyncset.done @!p0 $0x0  }
0x2c: {  	[dreg:$0x1a] =	wrdreg s16;
	[sflag:s13] =	ssyncadd.s32 @!p0 $0xFFFFFBF0  }
0x2d: {  	[spmem:s16], [sflag:s6] =	dma.local @!p0 [hbm:s14], $0x410  }
0x2e: {  	_ =	swait.ge @!p0 [sflag:s13], $0x410  }
0x2f: {  	[sflag:s13] =	ssyncset.done @!p0 $0x0  }
0x30: {  	[sflag:s13] =	ssyncadd.s32 @!p0 $0xFFFFFBF0  }
0x31: {  	[bflag:$0x0] =	sbarrier.arrive $0xFFFF  }
0x32: {  	s16 =	rddreg [dreg:$0x6]  }
0x33: {  	s18 =	rddreg [dreg:$0x7]  }
0x34: {  	s21 =	rddreg [dreg:$0x8]  }
0x35: {  	[tilespmem:s3], [sflag:$0x1] =	stream.linear.gather [hbm4b:s16+s3], $0x8000, $0x38;
	[tilespmem:$0x18910] =	vst v63  }
0x36: {  	s22 =	rddreg [dreg:$0x9]  }
0x37: {  	[tilespmem:s25], [sflag:$0x4] =	stream.linear.gather [hbm4b:s18+s3], $0x100, $0x38;
	[tilespmem:$0x18910] =	vst v63  }
0x38: {  	s13 =	rddreg [dreg:$0x15]  }
0x39: {  	[tilespmem:s26], [sflag:$0x2] =	stream.linear.gather [hbm4b:s21+s3], $0x8000, $0x38;
	[tilespmem:$0x18910] =	vst v63  }
0x3a: {  	s14 =	rddreg [dreg:$0x13]  }
0x3b: {  	[tilespmem:s28], [sflag:$0x5] =	stream.linear.gather [hbm4b:s22+s3], $0x100, $0x38;
	[tilespmem:$0x18910] =	vst v63  }
0x3c: {  	s6 =	simm.s32 $0x0;
	s22 =	rddreg [dreg:$0x10]  }
.LBB2_2:
0x3d: {  	_ =	swait.ge [sflag:s29], $0x8000  }
0x3e: {  	[sflag:s29] =	ssyncset.done $0x0  }
0x3f: {  	[sflag:s29] =	ssyncadd.s32 $0xFFFF8000  }
0x40: {  	_ =	swait.ge [sflag:s30], $0x100  }
0x41: {  	p1 =	seq.s32 s6, $0x0;
	[sflag:s30] =	ssyncset.done $0x0  }
0x42: {  	s16 =	simm.s32 @!p1 $0x9;
	[sflag:s30] =	ssyncadd.s32 $0xFFFFFF00  }
0x43: {  	_ =	swait.ge @!p1 [sflag:s16], $0x4000  }
0x44: {  	[sflag:s16] =	ssyncset.done @!p1 $0x0  }
0x45: {  	[sflag:s16] =	ssyncadd.s32 @!p1 $0xFFFFC000  }
0x46: {  	_ =	swait.ge @!p1 [sflag:s16], $0x4000  }
0x47: {  	[sflag:s16] =	ssyncset.done @!p1 $0x0  }
0x48: {  	s21 =	rddreg [dreg:$0x14];
	[sflag:s16] =	ssyncadd.s32 @!p1 $0xFFFFC000  }
0x49: {  	[tilespmem:s31], [sflag:$0x3] =	stream.linear.gather [hbm4b:s13+s3], $0x8000, $0x38;
	[tilespmem:$0x18910] =	vst v63  }
0x4a: {  	s16 =	sadd.s32 s6, s21  }
0x4b: {  	[tilespmem:s0], [sflag:$0x6] =	stream.linear.gather [hbm4b:s16+s3], $0x100, $0x38;
	[tilespmem:$0x18910] =	vst v63  }
0x4c: {  	_ = 	snop  }
0x4d: {  	[spmem:s1] =	stream.indirect.scatter.add.f32 [tilespmem:s3], [sflag:$0x7], $0x80, s25, s7, $0xb8;
	[tilespmem:$0x18910] =	vst v63  }
0x4e: {  	_ = 	snop  }
0x4f: {  	[spmem:s1] =	stream.indirect.scatter.add.f32 [tilespmem:s9], [sflag:$0x7], $0x80, s8, s7, $0xb8;
	[tilespmem:$0x18910] =	vst v63  }
0x50: {  	_ =	swait.ge [sflag:s10], $0x8000  }
0x51: {  	[sflag:s10] =	ssyncset.done $0x0  }
0x52: {  	[sflag:s10] =	ssyncadd.s32 $0xFFFF8000  }
0x53: {  	_ =	swait.ge [sflag:s11], $0x100  }
0x54: {  	[sflag:s11] =	ssyncset.done $0x0  }
0x55: {  	[sflag:s11] =	ssyncadd.s32 $0xFFFFFF00  }
0x56: {  	_ =	swait.ge [sflag:s12], $0x4000  }
0x57: {  	[sflag:s12] =	ssyncset.done $0x0  }
0x58: {  	[sflag:s12] =	ssyncadd.s32 $0xFFFFC000  }
0x59: {  	_ =	swait.ge [sflag:s12], $0x4000  }
0x5a: {  	p1 =	seq.s32 s6, $0x480;
	[sflag:s12] =	ssyncset.done $0x0  }
0x5b: {  	s16 =	simm.s32 @!p1 $0x0;
	s18 =	rddreg [dreg:$0x11];
	[sflag:s12] =	ssyncadd.s32 $0xFFFFC000  }
0x5c: {  	[tilespmem:s16], [sflag:$0x1] =	stream.linear.gather @!p1 [hbm4b:s14+s16], $0x8000, $0x38;
	[tilespmem:$0x18910] =	vst v63  }
0x5d: {  	s21 =	simm.s32 @!p1 $0x18000;
	s18 =	sadd.s32 @!p1 s6, s18  }
0x5e: {  	[tilespmem:s21], [sflag:$0x4] =	stream.linear.gather @!p1 [hbm4b:s18+s16], $0x100, $0x38;
	[tilespmem:$0x18910] =	vst v63  }
0x5f: {  	_ = 	snop  }
0x60: {  	[spmem:s1] =	stream.indirect.scatter.add.f32 [tilespmem:s26], [sflag:$0x8], $0x80, s28, s7, $0xb8;
	[tilespmem:$0x18910] =	vst v63  }
0x61: {  	s18 =	simm.s32 $0x18180;
	s21 =	simm.s32 $0xC000  }
0x62: {  	[spmem:s1] =	stream.indirect.scatter.add.f32 [tilespmem:s21], [sflag:$0x8], $0x80, s18, s7, $0xb8;
	[tilespmem:$0x18910] =	vst v63  }
0x63: {  	_ =	swait.ge [sflag:s15], $0x8000  }
0x64: {  	[sflag:s15] =	ssyncset.done $0x0  }
0x65: {  	[sflag:s15] =	ssyncadd.s32 $0xFFFF8000  }
0x66: {  	_ =	swait.ge [sflag:s17], $0x100  }
0x67: {  	[sflag:s17] =	ssyncset.done $0x0  }
0x68: {  	[sflag:s17] =	ssyncadd.s32 $0xFFFFFF00  }
0x69: {  	_ =	swait.ge [sflag:s20], $0x4000  }
.Ltmp0:
0x6a: {  	[sflag:s20] =	ssyncset.done $0x0;
	(pc) =	sbr.rel @p1 .LBB2_4-.Ltmp0, $4  }
0x6b: {  	[sflag:s20] =	ssyncadd.s32 $0xFFFFC000  }
0x6c: {  	_ =	swait.ge [sflag:s20], $0x4000  }
0x6d: {  	[sflag:s20] =	ssyncset.done $0x0  }
0x6e: {  	[sflag:s20] =	ssyncadd.s32 $0xFFFFC000  }
0x6f: {  	[tilespmem:s26], [sflag:$0x2] =	stream.linear.gather [hbm4b:s22+s3], $0x8000, $0x38;
	[tilespmem:$0x18910] =	vst v63  }
0x70: {  	s16 =	rddreg [dreg:$0xf]  }
0x71: {  	s16 =	sadd.s32 s6, s16  }
0x72: {  	[tilespmem:s28], [sflag:$0x5] =	stream.linear.gather [hbm4b:s16+s3], $0x100, $0x38;
	[tilespmem:$0x18910] =	vst v63  }
.Ltmp1:
0x73: {  	_ = 	snop;
	(pc) =	sbr.rel .LBB2_2-.Ltmp1, $4  }
0x74: {  	s21 =	simm.s32 $0x18280;
	s18 =	simm.s32 $0x14000;
	s22 =	sadd.s32 $0x3000, s22  }
0x75: {  	[spmem:s1] =	stream.indirect.scatter.add.f32 [tilespmem:s31], [sflag:$0x9], $0x80, s0, s7, $0xb8;
	[tilespmem:$0x18910] =	vst v63  }
0x76: {  	s14 =	sadd.s32 $0x3000, s14;
	s13 =	sadd.s32 $0x3000, s13;
	s6 =	sadd.s32 $0x60, s6  }
0x77: {  	[spmem:s1] =	stream.indirect.scatter.add.f32 [tilespmem:s18], [sflag:$0x9], $0x80, s21, s7, $0xb8;
	[tilespmem:$0x18910] =	vst v63  }
.LBB2_4:
0x78: {  	[spmem:s1] =	stream.indirect.scatter.add.f32 [tilespmem:s31], [sflag:$0x9], $0x80, s0, s7, $0xb8;
	[tilespmem:$0x18910] =	vst v63  }
0x79: {  	s6 =	simm.s32 $0x18280;
	s13 =	simm.s32 $0x14000;
	s18 =	simm.s32 $0x9  }
0x7a: {  	[spmem:s1] =	stream.indirect.scatter.add.f32 [tilespmem:s13], [sflag:$0x9], $0x80, s6, s7, $0xb8;
	[tilespmem:$0x18910] =	vst v63  }
0x7b: {  	_ =	swait.ge [sflag:s18], $0x4000  }
0x7c: {  	[sflag:s18] =	ssyncset.done $0x0  }
0x7d: {  	[sflag:s18] =	ssyncadd.s32 $0xFFFFC000  }
0x7e: {  	_ =	swait.ge [sflag:s18], $0x4000  }
0x7f: {  	s6 =	simm.s32 @!p0 $0x0;
	[sflag:s18] =	ssyncset.done $0x0  }
0x80: {  	s13 =	rddreg [dreg:$0xa];
	[sflag:s18] =	ssyncadd.s32 $0xFFFFC000;
	s18 =	simm.s32 @!p0 $0xA  }
0x81: {  	[tilespmem:s6], [sflag:$0xA] =	stream.linear.gather @!p0 [hbm4b:s13+s6], $0x8000, $0x38;
	[tilespmem:$0x18910] =	vst v63  }
0x82: {  	_ =	swait.ge @!p0 [sflag:s18], $0x8000  }
0x83: {  	[sflag:s18] =	ssyncset.done @!p0 $0x0  }
0x84: {  	s13 =	simm.s32 @!p0 $0x18000;
	s14 =	rddreg [dreg:$0xb];
	[sflag:s18] =	ssyncadd.s32 @!p0 $0xFFFF8000  }
0x85: {  	[tilespmem:s13], [sflag:$0xA] =	stream.linear.gather @!p0 [hbm4b:s14+s6], $0x100, $0x38;
	[tilespmem:$0x18910] =	vst v63  }
0x86: {  	_ =	swait.ge @!p0 [sflag:s18], $0x100  }
0x87: {  	[sflag:s18] =	ssyncset.done @!p0 $0x0  }
0x88: {  	s14 =	simm.s32 @!p0 $0x80;
	[sflag:s18] =	ssyncadd.s32 @!p0 $0xFFFFFF00  }
0x89: {  	[spmem:s1] =	stream.indirect.scatter.add.f32 @!p0 [tilespmem:s6], [sflag:$0xA], $0x80, s13, s14, $0xb8;
	[tilespmem:$0x18910] =	vst v63  }
0x8a: {  	_ =	swait.ge @!p0 [sflag:s18], $0x4000  }
0x8b: {  	[sflag:s18] =	ssyncset.done @!p0 $0x0  }
0x8c: {  	s6 =	simm.s32 @!p0 $0x18080;
	s13 =	simm.s32 @!p0 $0x4000;
	[sflag:s18] =	ssyncadd.s32 @!p0 $0xFFFFC000  }
0x8d: {  	[spmem:s1] =	stream.indirect.scatter.add.f32 @!p0 [tilespmem:s13], [sflag:$0xA], $0x80, s6, s14, $0xb8;
	[tilespmem:$0x18910] =	vst v63  }
0x8e: {  	_ =	swait.ge @!p0 [sflag:s18], $0x4000  }
0x8f: {  	[sflag:s18] =	ssyncset.done @!p0 $0x0  }
0x90: {  	s14 =	rddreg [dreg:$0x17];
	[sflag:s18] =	ssyncadd.s32 @!p0 $0xFFFFC000  }
0x91: {  	[tilespmem:s3], [sflag:$0xA] =	stream.linear.gather [hbm4b:s14+s3], $0x8000, $0x38;
	[tilespmem:$0x18910] =	vst v63  }
0x92: {  	_ =	swait.ge [sflag:s23], $0x8000  }
0x93: {  	s22 =	rddreg [dreg:$0x12]  }
0x94: {  	[sflag:s23] =	ssyncset.done $0x0;
	s21 =	sshrl.u32 s22, $0x3  }
0x95: {  	[sflag:s23] =	ssyncadd.s32 $0xFFFF8000;
	s16 =	sadd.s32 s4, s21  }
0x96: {  	[tilespmem:s24], [sflag:$0xA] =	stream.linear.gather [hbm4b:s16+s3], $0x100, $0x38;
	[tilespmem:$0x18910] =	vst v63  }
0x97: {  	_ =	swait.ge [sflag:s23], $0x100  }
0x98: {  	[sflag:s23] =	ssyncset.done $0x0  }
0x99: {  	s6 =	sadd.s32 s5, s21;
	[sflag:s23] =	ssyncadd.s32 $0xFFFFFF00  }
0x9a: {  	[tilespmem:s19], [sflag:$0xA] =	stream.linear.gather [hbm4b:s6+s3], $0x100, $0x38;
	[tilespmem:$0x18910] =	vst v63  }
0x9b: {  	_ =	swait.ge [sflag:s23], $0x100  }
0x9c: {  	s21 =	rddreg [dreg:$0x16]  }
0x9d: {  	[sflag:s23] =	ssyncset.done $0x0;
	p1 =	sne.s32 s21, $0x1  }
.Ltmp2:
0x9e: {  	[sflag:s23] =	ssyncadd.s32 $0xFFFFFF00;
	(pc) =	sbr.rel @!p1 .LBB2_6-.Ltmp2, $4  }
0x9f: {  	v0 =	vld [tilespmem:$0x183D0]  }
0xa0: {  	v1 =	vld [tilespmem:$0x184D0]  }
0xa1: {  	v2 =	vld [tilespmem:$0x183B0]  }
0xa2: {  	s13 =	sadd.s32 $0xFFFFFFFF, s21;
	v3 =	vld [tilespmem:$0x184B0]  }
.LBB2_5:
0xa3: {  	p1 =	sne.s32 s13, $0x1;
	v4 =	vld [tilespmem:$0x183A0];
	s14 =	sadd.s32 $0x20000, s14;
	s22 =	sadd.s32 $0x2000, s22  }
0xa4: {  	s13 =	sadd.s32 $0xFFFFFFFF, s13;
	v5 =	vld [tilespmem:$0x18380]  }
0xa5: {  	v6 =	vld [tilespmem:$0x183E0]  }
0xa6: {  	v7 =	vld [tilespmem:$0x184A0]  }
0xa7: {  	v8 =	vld [tilespmem:$0x18480]  }
0xa8: {  	v9 =	vld [tilespmem:$0x18390]  }
0xa9: {  	v10 =	vld [tilespmem:$0x18490]  }
0xaa: {  	v11 =	vld [tilespmem:$0x18340]  }
0xab: {  	v12 =	vld [tilespmem:$0x18370]  }
0xac: {  	v13 =	vld [tilespmem:$0x18470]  }
0xad: {  	v14 =	vld [tilespmem:$0x18360]  }
0xae: {  	vm0 =	veq.s32 v10, $0x0;
	v10 =	vld [tilespmem:$0x183F0]  }
0xaf: {  	v15 =	vld [tilespmem:$0x18300];
	v9 =	vsel vm0, $0x40, v9  }
0xb0: {  	v16 =	vld [tilespmem:$0x18460];
	[tilespmem:$0x18090] =	vst v9  }
0xb1: {  	vm1 =	veq.s32 v8, $0x0;
	v9 =	vld [tilespmem:$0x18320];
	vm0 =	veq.s32 v13, $0x0  }
0xb2: {  	v5 =	vsel vm1, $0x40, v5;
	v8 =	vld [tilespmem:$0x18350];
	v12 =	vsel vm0, $0x40, v12;
	vm0 =	veq.s32 v7, $0x0  }
0xb3: {  	v7 =	vld [tilespmem:$0x18310];
	[tilespmem:$0x18070] =	vst v12;
	v4 =	vsel vm0, $0x40, v4;
	vm0 =	veq.s32 v3, $0x0  }
0xb4: {  	v3 =	vld [tilespmem:$0x18450];
	[tilespmem:$0x18080] =	vst v5;
	v2 =	vsel vm0, $0x40, v2  }
0xb5: {  	v5 =	vld [tilespmem:$0x18440];
	vm0 =	veq.s32 v16, $0x0;
	[tilespmem:$0x180B0] =	vst v2  }
0xb6: {  	v2 =	vld [tilespmem:$0x18330];
	v12 =	vsel vm0, $0x40, v14;
	[tilespmem:$0x180A0] =	vst v4  }
0xb7: {  	v4 =	vld [tilespmem:$0x18430];
	[tilespmem:$0x18060] =	vst v12  }
0xb8: {  	v12 =	vld [tilespmem:$0x18420]  }
0xb9: {  	v13 =	vld [tilespmem:$0x18410];
	vm0 =	veq.s32 v3, $0x0  }
0xba: {  	vm1 =	veq.s32 v5, $0x0;
	v3 =	vsel vm0, $0x40, v8;
	v5 =	vld [tilespmem:$0x184F0]  }
0xbb: {  	v8 =	vsel vm1, $0x40, v11;
	[tilespmem:$0x18050] =	vst v3;
	v3 =	vld [tilespmem:$0x184E0]  }
0xbc: {  	vm1 =	veq.s32 v1, $0x0;
	v11 =	vld [tilespmem:$0x18400];
	vm0 =	veq.s32 v4, $0x0;
	[tilespmem:$0x18040] =	vst v8  }
0xbd: {  	vm2 =	veq.s32 v12, $0x0;
	v1 =	vsel vm0, $0x40, v2;
	v2 =	vld [tilespmem:$0x184C0]  }
0xbe: {  	v0 =	vsel vm1, $0x40, v0;
	vm0 =	veq.s32 v13, $0x0;
	[tilespmem:$0x18030] =	vst v1;
	v1 =	vld [tilespmem:$0x183C0]  }
0xbf: {  	v4 =	vsel vm2, $0x40, v9;
	[tilespmem:$0x180D0] =	vst v0;
	vm1 =	veq.s32 v5, $0x0  }
0xc0: {  	v0 =	vsel vm0, $0x40, v7;
	[tilespmem:$0x18020] =	vst v4;
	vm0 =	veq.s32 v3, $0x0  }
0xc1: {  	vm2 =	veq.s32 v11, $0x0;
	[tilespmem:$0x18010] =	vst v0;
	v0 =	vsel vm1, $0x40, v10  }
0xc2: {  	v3 =	vsel vm2, $0x40, v15;
	vm1 =	veq.s32 v2, $0x0;
	v2 =	vsel vm0, $0x40, v6;
	[tilespmem:$0x180F0] =	vst v0  }
0xc3: {  	[tilespmem:$0x18000] =	vst v3;
	v0 =	vsel vm1, $0x40, v1  }
0xc4: {  	[tilespmem:$0x180E0] =	vst v2  }
0xc5: {  	[tilespmem:$0x180C0] =	vst v0  }
0xc6: {  	[spmem:s2] =	stream.indirect.scatter.add.f32 [tilespmem:s3], [sflag:$0xA], $0x80, s25, s7, $0xb8;
	[tilespmem:$0x18910] =	vst v63  }
0xc7: {  	_ =	swait.ge [sflag:s23], $0x4000  }
0xc8: {  	[sflag:s23] =	ssyncset.done $0x0  }
0xc9: {  	[sflag:s23] =	ssyncadd.s32 $0xFFFFC000  }
0xca: {  	[spmem:s2] =	stream.indirect.scatter.add.f32 [tilespmem:s9], [sflag:$0xA], $0x80, s8, s7, $0xb8;
	[tilespmem:$0x18910] =	vst v63  }
0xcb: {  	_ =	swait.ge [sflag:s23], $0x4000  }
0xcc: {  	[sflag:s23] =	ssyncset.done $0x0  }
0xcd: {  	[sflag:s23] =	ssyncadd.s32 $0xFFFFC000  }
0xce: {  	[tilespmem:s3], [sflag:$0xA] =	stream.linear.gather [hbm4b:s14+s3], $0x8000, $0x38;
	[tilespmem:$0x18910] =	vst v63  }
0xcf: {  	_ =	swait.ge [sflag:s23], $0x8000  }
0xd0: {  	s6 =	sshrl.u32 s22, $0x3;
	[sflag:s23] =	ssyncset.done $0x0  }
0xd1: {  	s16 =	sadd.s32 s4, s6;
	[sflag:s23] =	ssyncadd.s32 $0xFFFF8000  }
0xd2: {  	[tilespmem:s24], [sflag:$0xA] =	stream.linear.gather [hbm4b:s16+s3], $0x100, $0x38;
	[tilespmem:$0x18910] =	vst v63  }
0xd3: {  	_ =	swait.ge [sflag:s23], $0x100  }
0xd4: {  	[sflag:s23] =	ssyncset.done $0x0  }
0xd5: {  	s6 =	sadd.s32 s5, s6;
	[sflag:s23] =	ssyncadd.s32 $0xFFFFFF00  }
0xd6: {  	[tilespmem:s19], [sflag:$0xA] =	stream.linear.gather [hbm4b:s6+s3], $0x100, $0x38;
	[tilespmem:$0x18910] =	vst v63  }
0xd7: {  	_ =	swait.ge [sflag:s23], $0x100  }
0xd8: {  	[sflag:s23] =	ssyncset.done $0x0  }
.Ltmp3:
0xd9: {  	[sflag:s23] =	ssyncadd.s32 $0xFFFFFF00;
	(pc) =	sbr.rel @p1 .LBB2_5-.Ltmp3, $4  }
0xda: {  	v0 =	vld [tilespmem:$0x183D0]  }
0xdb: {  	v1 =	vld [tilespmem:$0x184D0]  }
0xdc: {  	v2 =	vld [tilespmem:$0x183B0]  }
0xdd: {  	v3 =	vld [tilespmem:$0x184B0]  }
.LBB2_6:
0xde: {  	v4 =	vld [tilespmem:$0x183A0]  }
0xdf: {  	v5 =	vld [tilespmem:$0x18380]  }
0xe0: {  	v7 =	vld [tilespmem:$0x184A0]  }
0xe1: {  	v8 =	vld [tilespmem:$0x18480]  }
0xe2: {  	v9 =	vld [tilespmem:$0x18390]  }
0xe3: {  	v10 =	vld [tilespmem:$0x18490]  }
0xe4: {  	v11 =	vld [tilespmem:$0x18340]  }
0xe5: {  	v12 =	vld [tilespmem:$0x18370]  }
0xe6: {  	v13 =	vld [tilespmem:$0x18470]  }
0xe7: {  	v14 =	vld [tilespmem:$0x18360]  }
0xe8: {  	v15 =	vld [tilespmem:$0x183F0]  }
0xe9: {  	v16 =	vld [tilespmem:$0x18300]  }
0xea: {  	v17 =	vld [tilespmem:$0x18460]  }
0xeb: {  	v18 =	vld [tilespmem:$0x18320]  }
0xec: {  	v19 =	vld [tilespmem:$0x18350]  }
0xed: {  	v43 =	vld [tilespmem:$0x18310]  }
0xee: {  	v44 =	vld [tilespmem:$0x18450];
	vm9 =	veq.s32 v1, $0x0  }
0xef: {  	v46 =	vld [tilespmem:$0x18440];
	v0 =	vsel vm9, $0x40, v0;
	vm15 =	veq.s32 v3, $0x0  }
0xf0: {  	v47 =	vld [tilespmem:$0x18430];
	[tilespmem:$0x180D0] =	vst v0;
	vm0 =	veq.s32 v10, $0x0;
	v2 =	vsel vm15, $0x40, v2  }
0xf1: {  	v48 =	vld [tilespmem:$0x18330];
	vm14 =	veq.s32 v13, $0x0;
	v9 =	vsel vm0, $0x40, v9;
	[tilespmem:$0x180B0] =	vst v2  }
0xf2: {  	v49 =	vld [tilespmem:$0x18420];
	vm1 =	veq.s32 v8, $0x0;
	v45 =	vsel vm14, $0x40, v12;
	[tilespmem:$0x18090] =	vst v9  }
0xf3: {  	v51 =	vld [tilespmem:$0x18410];
	vm4 =	veq.s32 v7, $0x0;
	v5 =	vsel vm1, $0x40, v5;
	[tilespmem:$0x18070] =	vst v45  }
0xf4: {  	v53 =	vld [tilespmem:$0x184F0];
	vm5 =	veq.s32 v17, $0x0;
	v4 =	vsel vm4, $0x40, v4;
	[tilespmem:$0x18080] =	vst v5  }
0xf5: {  	v54 =	vld [tilespmem:$0x18400];
	vm6 =	veq.s32 v44, $0x0;
	v50 =	vsel vm5, $0x40, v14;
	[tilespmem:$0x180A0] =	vst v4  }
0xf6: {  	v57 =	vld [tilespmem:$0x184C0];
	vm8 =	veq.s32 v47, $0x0;
	v52 =	vsel vm6, $0x40, v19;
	[tilespmem:$0x18060] =	vst v50  }
0xf7: {  	v58 =	vld [tilespmem:$0x183C0];
	vm10 =	veq.s32 v49, $0x0;
	v56 =	vsel vm8, $0x40, v48;
	[tilespmem:$0x18050] =	vst v52  }
0xf8: {  	v55 =	vld [tilespmem:$0x184E0];
	vm11 =	veq.s32 v51, $0x0;
	v59 =	vsel vm10, $0x40, v18;
	[tilespmem:$0x18030] =	vst v56  }
0xf9: {  	v6 =	vld [tilespmem:$0x183E0];
	vm12 =	veq.s32 v53, $0x0;
	v60 =	vsel vm11, $0x40, v43;
	[tilespmem:$0x18020] =	vst v59  }
0xfa: {  	vm13 =	veq.s32 v54, $0x0;
	v61 =	vsel vm12, $0x40, v15;
	[tilespmem:$0x18010] =	vst v60  }
0xfb: {  	vm15 =	veq.s32 v57, $0x0;
	v62 =	vsel vm13, $0x40, v16;
	[tilespmem:$0x180F0] =	vst v61  }
0xfc: {  	vm7 =	veq.s32 v46, $0x0;
	v1 =	vsel vm15, $0x40, v58;
	[tilespmem:$0x18000] =	vst v62  }
0xfd: {  	vm14 =	veq.s32 v55, $0x0;
	v9 =	vsel vm7, $0x40, v11;
	[tilespmem:$0x180C0] =	vst v1  }
0xfe: {  	v63 =	vsel vm14, $0x40, v6;
	[tilespmem:$0x18040] =	vst v9  }
0xff: {  	[tilespmem:$0x180E0] =	vst v63  }
0x100: {  	[spmem:s2] =	stream.indirect.scatter.add.f32 [tilespmem:s3], [sflag:$0xA], $0x80, s25, s7, $0xb8;
	[tilespmem:$0x18910] =	vst v63  }
0x101: {  	_ =	swait.ge [sflag:s23], $0x4000  }
0x102: {  	[sflag:s23] =	ssyncset.done $0x0  }
0x103: {  	[sflag:s23] =	ssyncadd.s32 $0xFFFFC000  }
0x104: {  	[spmem:s2] =	stream.indirect.scatter.add.f32 [tilespmem:s9], [sflag:$0xA], $0x80, s8, s7, $0xb8;
	[tilespmem:$0x18910] =	vst v63  }
0x105: {  	_ =	swait.ge [sflag:s23], $0x4000  }
0x106: {  	[sflag:s23] =	ssyncset.done $0x0  }
0x107: {  	[sflag:s23] =	ssyncadd.s32 $0xFFFFC000  }
0x108: {  	[bflag:$0x0] =	sbarrier.arrive $0xFFFF  }
0x109: {  	s13 =	rddreg [dreg:$0xc]  }
0x10a: {  	s6 =	simm.s32 @!p0 $0x1C0A;
	s14 =	rddreg [dreg:$0x19]  }
0x10b: {  	[hbm:s13], [sflag:s6] =	dma.local @!p0 [spmem:s14], $0x410  }
0x10c: {  	_ =	swait.ge @!p0 [sflag:s18], $0x410  }
0x10d: {  	[sflag:s18] =	ssyncset.done @!p0 $0x0;
	s13 =	rddreg [dreg:$0xd]  }
0x10e: {  	s14 =	rddreg [dreg:$0x1a];
	[sflag:s18] =	ssyncadd.s32 @!p0 $0xFFFFFBF0  }
0x10f: {  	[hbm:s13], [sflag:s6] =	dma.local @!p0 [spmem:s14], $0x410  }
0x110: {  	_ =	swait.ge @!p0 [sflag:s18], $0x410  }
0x111: {  	s21 =	rddreg [dreg:$0x18]  }
0x112: {  	s22 =	rddreg [dreg:$0xe];
	s13 =	sadd.s32 $0x1, s21  }
0x113: {  	p1 =	sne.s32 s13, s22  }
.Ltmp4:
0x114: {  	_ = 	snop;
	(pc) =	sbr.rel @p1 .LBB2_1-.Ltmp4, $3  }
0x115: {  	_ =	sdelay $0x1  }
0x116: {  	[sflag:s18] =	ssyncset.done @!p0 $0x0  }
0x117: {  	[sflag:s18] =	ssyncadd.s32 @!p0 $0xFFFFFBF0  }
0x118: {  	_ =	sfence.sel $0x180000  }
0x119: {  	[bflag:$0x0] =	sbarrier.arrive $0xFFFF  }
0x11a: {  	_ =	strace $0x90000047  }
0x11b: {  	[bflag:$0x2] =	sbarrier.arrive $0xFFFF  }
0x11c: {  	s0 =	rddreg [dreg:$0x4]  }
0x11d: {  	s0 =	sadd.s32 @!p0 $0x100000, s0  }
0x11e: {  	[sflag:s0] =	ssyncadd.tile.s32 @!p0 $0x1;
	_ =	shalt  }
.Lfunc_end2:
_tile_overlayer_lowered:
.L_overlay_start_2:
0x11f: {  	(tag) =	ssettag $0x2  }
0x120: {  	s0 =	rddreg [dreg:$0x0];
	s2 =	stileid.u32  }
0x121: {  	s1 =	rddreg [dreg:$0x1];
	p0 =	sne.s32 s2, $0x0  }
0x122: {  	s3 =	rddreg [dreg:$0x2];
	[bflag:$0x3] =	sbarrier.arrive $0xFFFF;
	s2 =	simm.s32 @!p0 $0x1C0A  }
0x123: {  	[timem:s3], [sflag:s2] =	dma.local @!p0 [hbm:s0], s1  }
0x124: {  	s0 =	simm.s32 @!p0 $0xA  }
0x125: {  	_ =	swait.ge @!p0 [sflag:s0], s1  }
0x126: {  	s1 =	ssub.s32 @!p0 $0x0, s1;
	[sflag:s0] =	ssyncset.done @!p0 $0x0  }
0x127: {  	[sflag:s0] =	ssyncadd.s32 @!p0 s1  }
0x128: {  	[bflag:$0x3] =	sbarrier.arrive $0xFFFF  }
0x129: {  	_ =	shalt  }

</sc_bundles>
